<compile_context>
chip_gen: v7x
topology: tpu7x:2x2x1
jax: 0.10.2.dev20260603
libtpu: 0.0.44.dev20260713+nightly
codegen_flags: <defaults>
</compile_context>

<pallas_src>
import functools

import jax
import jax.numpy as jnp
from jax import lax
from jax.experimental import pallas as pl
from jax.experimental.pallas import tpu as pltpu
from jax.experimental.pallas import tpu_sc as plsc

B, K, L = 128, 36, 20
WORD_DIM = 300
QUES_DIM = 1024
V_DIM = 2048
SCORE_DIM = 1024
HID = 100


def _leaky(x):
    return jnp.maximum(x, 0.01 * x)


@functools.lru_cache(maxsize=None)
def _make_sc_gather(V, D, N):
    NC, NS = 2, 16
    NW = NC * NS
    n_per_w = N // NW
    mesh = plsc.VectorSubcoreMesh(core_axis_name="c", subcore_axis_name="s",
                                  num_cores=NC, num_subcores=NS)

    @functools.partial(
        pl.kernel,
        out_type=jax.ShapeDtypeStruct((N, D), jnp.float32),
        mesh=mesh,
        scratch_types=[
            pltpu.VMEM((B,), jnp.int32),
            pltpu.VMEM((B, D), jnp.float32),
            pltpu.SemaphoreType.DMA,
        ],
    )
    def gather(table_hbm, idxt_hbm, out_hbm, idx_v, rows_v, sem):
        wid = lax.axis_index("s") * NC + lax.axis_index("c")

        @pl.when(wid < L)
        def _():
            pltpu.sync_copy(idxt_hbm.at[wid], idx_v)
            pltpu.async_copy(table_hbm.at[idx_v], rows_v, sem).wait()
            pltpu.sync_copy(rows_v, out_hbm.at[pl.ds(wid * B, B)])

    return gather


_PAD_ROWS = 2048


def _pad_body(in_ref, q_ref, out_ref, idxt_ref):
    blk = in_ref.shape[0]
    out_ref[...] = jnp.concatenate(
        [in_ref[...], jnp.zeros((blk, 384 - WORD_DIM), jnp.float32)], axis=1)

    @pl.when(pl.program_id(0) == 0)
    def _():
        idxt_ref[...] = jnp.transpose(q_ref[...])


def _pad_call(table, q):
    V = table.shape[0]
    grid = (pl.cdiv(V, _PAD_ROWS),)
    return pl.pallas_call(
        _pad_body,
        grid=grid,
        in_specs=[pl.BlockSpec((_PAD_ROWS, WORD_DIM), lambda i: (i, 0)),
                  pl.BlockSpec((B, L), lambda i: (0, 0))],
        out_specs=[pl.BlockSpec((_PAD_ROWS, 384), lambda i: (i, 0)),
                   pl.BlockSpec((L, B), lambda i: (0, 0))],
        out_shape=[jax.ShapeDtypeStruct((V, 384), jnp.float32),
                   jax.ShapeDtypeStruct((L, B), jnp.int32)],
    )(table, q)


_CHUNK = L // 4


def _gru_body(words_ref, Wih_ref, Whh_ref, bih_ref, bhh_ref, Wqp_ref, bqp_ref,
              Ws_ref, Wqr_ref, bqr_ref, qz_ref, wq_ref, gi_ref):
    Wih = Wih_ref[...].astype(jnp.bfloat16)
    Whh = Whh_ref[...].astype(jnp.bfloat16)
    bih = bih_ref[...]
    bhh = bhh_ref[...]

    def step(t, h):
        gi = gi_ref[pl.ds(t * B, B), :]
        gh = lax.dot_general(h.astype(jnp.bfloat16), Whh, (((1,), (1,)), ((), ())),
                             preferred_element_type=jnp.float32) + bhh
        r = jax.nn.sigmoid(gi[:, :QUES_DIM] + gh[:, :QUES_DIM])
        z = jax.nn.sigmoid(gi[:, QUES_DIM:2 * QUES_DIM] + gh[:, QUES_DIM:2 * QUES_DIM])
        n = jnp.tanh(gi[:, 2 * QUES_DIM:] + r * gh[:, 2 * QUES_DIM:])
        return (1.0 - z) * n + z * h

    h = jnp.zeros((B, QUES_DIM), jnp.float32)
    for part in range(4):
        xs = words_ref[pl.ds(part * _CHUNK * B, _CHUNK * B), :WORD_DIM]
        gi_ref[...] = lax.dot_general(xs.astype(jnp.bfloat16), Wih,
                                      (((1,), (1,)), ((), ())),
                                      preferred_element_type=jnp.float32) + bih
        h = lax.fori_loop(0, _CHUNK, step, h)

    qp = _leaky(lax.dot_general(h, Wqp_ref[...], (((1,), (1,)), ((), ())),
                                preferred_element_type=jnp.float32) + bqp_ref[...])
    qz_ref[...] = qp * Ws_ref[...]
    wq_ref[...] = jnp.sum(h * Wqr_ref[...], axis=1, keepdims=True) + bqr_ref[...]


def _gru_call(words2d, W_ih, W_hh, b_ih, b_hh, Wqp, bqp, Ws, Wqr, bqr):
    return pl.pallas_call(
        _gru_body,
        out_shape=(
            jax.ShapeDtypeStruct((B, SCORE_DIM), jnp.float32),
            jax.ShapeDtypeStruct((B, 1), jnp.float32),
        ),
        scratch_shapes=[pltpu.VMEM((_CHUNK * B, 3 * QUES_DIM), jnp.float32)],
    )(words2d, W_ih, W_hh, b_ih, b_hh, Wqp, bqp, Ws, Wqr, bqr)


def _head_body(bk, v3_ref, b3_ref, qz_ref, wq_ref, Wv_ref, bv_ref,
               WfJ_ref, WfI_ref, Wrows_ref, bs_ref, bd_ref,
               kappa_ref, rho_ref, G_ref, vtv_ref, km_ref):
    v2 = jnp.concatenate([v3_ref[s] for s in range(bk)], axis=0)
    vp = _leaky(lax.dot_general(v2.astype(jnp.bfloat16),
                                Wv_ref[...].astype(jnp.bfloat16),
                                (((1,), (1,)), ((), ())),
                                preferred_element_type=jnp.float32) + bv_ref[...])
    qz = qz_ref[...]
    km_ref[...] = lax.dot_general(vp.astype(jnp.bfloat16),
                                  qz.astype(jnp.bfloat16), (((1,), (1,)), ((), ())),
                                  preferred_element_type=jnp.float32)
    kappa_ref[...] = jnp.concatenate(
        [jnp.transpose(km_ref[pl.ds(s * K, K), s:s + 1]) for s in range(bk)],
        axis=0) + bs_ref[0]

    ssq = jnp.sum(v2 * v2, axis=1, keepdims=True)
    inv = 1.0 / jnp.maximum(jnp.sqrt(ssq), 1e-12)
    nv = (v2 * inv).astype(jnp.bfloat16)
    G_ref[...] = lax.dot_general(nv, nv, (((1,), (1,)), ((), ())),
                                 preferred_element_type=jnp.float32)

    Wf0 = Wrows_ref[0:1, :]
    Wf1 = Wrows_ref[1:2, :]
    Wf14 = Wrows_ref[2:3, :]
    Wf15 = Wrows_ref[3:4, :]
    Wf16 = Wrows_ref[4:5, :]
    bf = Wrows_ref[5:6, :]
    Wd0 = Wrows_ref[6:7, :]
    bd = bd_ref[0]

    for s in range(bk):
        vtv_ref[...] = G_ref[pl.ds(s * K, K), pl.ds(s * K, K)]
        vtv = vtv_ref[...]

        boxes = b3_ref[s]
        x1 = boxes[:, 0:1]
        y1 = boxes[:, 1:2]
        x2 = boxes[:, 2:3]
        y2 = boxes[:, 3:4]
        area = (x2 - x1) * (y2 - y1)

        def bi(col):
            return jnp.broadcast_to(col, (K, K))

        def bj(col):
            return jnp.broadcast_to(jnp.transpose(col), (K, K))

        rl = jnp.maximum(bj(x1), bi(x1))
        dt = jnp.maximum(bj(y1), bi(y1))
        lr = jnp.minimum(bj(x2), bi(x2))
        td = jnp.minimum(bj(y2), bi(y2))
        olap = jnp.maximum(0.0, lr - rl) * jnp.maximum(0.0, td - dt)
        area_i = bi(area)
        area_j = bj(area)
        iou = olap / (area_i + area_j - olap)
        o_ij = olap / area_j
        o_ji = olap / area_i

        fj = lax.dot_general(boxes, WfJ_ref[...], (((1,), (1,)), ((), ())),
                             preferred_element_type=jnp.float32)
        fi = lax.dot_general(boxes, WfI_ref[...], (((1,), (1,)), ((), ())),
                             preferred_element_type=jnp.float32)
        wq_s = wq_ref[s:s + 1, :]
        fjc = fj + wq_s * Wf0 + bf

        base = (vtv[..., None] * Wf1[None, :, :]
                + iou[..., None] * Wf14[None, :, :]
                + o_ij[..., None] * Wf15[None, :, :]
                + o_ji[..., None] * Wf16[None, :, :]
                + fjc[None, :, :] + fi[:, None, :])
        hid = _leaky(base)
        rho_ref[s] = jnp.sum(hid * Wd0[None, :, :], axis=2) + bd


def _head_call(bk, v2, b3, qz, wq, Wv, bv, WfJ, WfI, Wrows, bs, bd):
    grid = (B // bk,)
    kappa, rho = pl.pallas_call(
        functools.partial(_head_body, bk),
        grid=grid,
        in_specs=[
            pl.BlockSpec((bk, K, V_DIM), lambda i: (i, 0, 0)),
            pl.BlockSpec((bk, K, 6), lambda i: (i, 0, 0)),
            pl.BlockSpec((bk, SCORE_DIM), lambda i: (i, 0)),
            pl.BlockSpec((bk, 1), lambda i: (i, 0)),
            pl.BlockSpec((SCORE_DIM, V_DIM), lambda i: (0, 0)),
            pl.BlockSpec((1, SCORE_DIM), lambda i: (0, 0)),
            pl.BlockSpec((HID, 6), lambda i: (0, 0)),
            pl.BlockSpec((HID, 6), lambda i: (0, 0)),
            pl.BlockSpec((7, HID), lambda i: (0, 0)),
            pl.BlockSpec(memory_space=pltpu.SMEM),
            pl.BlockSpec(memory_space=pltpu.SMEM),
        ],
        out_specs=[
            pl.BlockSpec((bk, K), lambda i: (i, 0)),
            pl.BlockSpec((bk, K, K), lambda i: (i, 0, 0)),
        ],
        out_shape=[
            jax.ShapeDtypeStruct((B, K), jnp.float32),
            jax.ShapeDtypeStruct((B, K, K), jnp.float32),
        ],
        scratch_shapes=[pltpu.VMEM((bk * K, bk * K), jnp.float32),
                        pltpu.VMEM((K, K), jnp.float32),
                        pltpu.VMEM((bk * K, bk), jnp.float32)],
    )(v2, b3, qz, wq, Wv, bv, WfJ, WfI, Wrows, bs, bd)
    return kappa, rho


def kernel(v_emb, b, q, embd_table, W_ih, W_hh, b_ih, b_hh, Wv, bv, Wqp, bqp,
           Ws, bs, Wqr, bqr, Wf, bf, Wd, bd):
    WPAD = 384
    table_p, idxt = _pad_call(embd_table, q)
    gather = _make_sc_gather(embd_table.shape[0], WPAD, L * B)
    words = gather(table_p, idxt)

    qz, wq = _gru_call(words, W_ih, W_hh, b_ih, b_hh, Wqp,
                       bqp.reshape(1, -1), Ws, Wqr, bqr.reshape(1, 1))

    WfJ = Wf[:, 2:8]
    WfI = Wf[:, 8:14]
    Wrows = jnp.stack([Wf[:, 0], Wf[:, 1], Wf[:, 14], Wf[:, 15], Wf[:, 16],
                       bf, Wd[0]], axis=0)

    bk = 8
    kappa, rho = _head_call(
        bk, v_emb, b, qz, wq,
        Wv, bv.reshape(1, -1), WfJ, WfI, Wrows, bs, bd)
    return kappa, rho

# --- scband reference (transcript-rebuilt; emitter-appended) ---
"""Pipeline reference for scband-irlc-81320910782803 (READ-ONLY COPY).

The authoritative reference and input builder live on the scoring server;
editing this copy changes nothing except your own understanding.
"""

import jax, jax.numpy as jnp
import numpy as np

VOCAB_SIZE = 20000
WORD_DIM = 300
QUES_DIM = 1024
V_DIM = 2048
SCORE_DIM = 1024
B, K, L = 128, 36, 20

def _leaky(x):
    return jax.nn.leaky_relu(x, negative_slope=0.01)

def setup_inputs(seed: int = 0):
    key = jax.random.key(seed)
    ks = jax.random.split(key, 20)
    v_emb = jax.random.normal(ks[0], (B, K, V_DIM), dtype=jnp.float32)
    x1 = jax.random.uniform(ks[1], (B, K, 1)) * 0.7
    y1 = jax.random.uniform(ks[2], (B, K, 1)) * 0.7
    ww = jax.random.uniform(ks[3], (B, K, 1)) * 0.3 + 0.01
    hh = jax.random.uniform(ks[4], (B, K, 1)) * 0.3 + 0.01
    extra = jax.random.uniform(ks[5], (B, K, 2))
    b = jnp.concatenate([x1, y1, x1 + ww, y1 + hh, extra], axis=2).astype(jnp.float32)
    q = jax.random.randint(ks[6], (B, L), 0, VOCAB_SIZE, dtype=jnp.int32)
    def glorot(k_, shape):
        return jax.random.normal(k_, shape, dtype=jnp.float32) / np.sqrt(shape[-1])
    embd_table = glorot(ks[7], (VOCAB_SIZE + 1, WORD_DIM))
    W_ih = glorot(ks[8], (3 * QUES_DIM, WORD_DIM))
    W_hh = glorot(ks[9], (3 * QUES_DIM, QUES_DIM))
    b_ih = jnp.zeros((3 * QUES_DIM,), jnp.float32)
    b_hh = jnp.zeros((3 * QUES_DIM,), jnp.float32)
    Wv = glorot(ks[10], (SCORE_DIM, V_DIM))
    bv = jnp.zeros((SCORE_DIM,), jnp.float32)
    Wqp = glorot(ks[11], (SCORE_DIM, QUES_DIM))
    bqp = jnp.zeros((SCORE_DIM,), jnp.float32)
    Ws = glorot(ks[12], (1, SCORE_DIM))
    bs = jnp.zeros((1,), jnp.float32)
    Wqr = glorot(ks[13], (1, QUES_DIM))
    bqr = jnp.zeros((1,), jnp.float32)
    Wf = glorot(ks[14], (100, 17))
    bf = jnp.zeros((100,), jnp.float32)
    Wd = glorot(ks[15], (1, 100))
    bd = jnp.zeros((1,), jnp.float32)
    return {"v_emb": v_emb, "b": b, "q": q, "embd_table": embd_table, "W_ih": W_ih, "W_hh": W_hh, "b_ih": b_ih, "b_hh": b_hh, "Wv": Wv, "bv": bv, "Wqp": Wqp, "bqp": bqp, "Ws": Ws, "bs": bs, "Wqr": Wqr, "bqr": bqr, "Wf": Wf, "bf": bf, "Wd": Wd, "bd": bd}

def _gru_last(x_seq, W_ih, W_hh, b_ih, b_hh):
    h0 = jnp.zeros((x_seq.shape[1], QUES_DIM), x_seq.dtype)
    def step(h, x):
        gi = x @ W_ih.T + b_ih
        gh = h @ W_hh.T + b_hh
        i_r, i_z, i_n = jnp.split(gi, 3, axis=-1)
        h_r, h_z, h_n = jnp.split(gh, 3, axis=-1)
        r = jax.nn.sigmoid(i_r + h_r)
        z = jax.nn.sigmoid(i_z + h_z)
        n = jnp.tanh(i_n + r * h_n)
        h_new = (1.0 - z) * n + z * h
        return h_new, None
    h, _ = jax.lax.scan(step, h0, x_seq)
    return h

def _get_spatials(b):
    Bn, k, d6 = b.shape
    b_ij = jnp.broadcast_to(b[:, None, :, :], (Bn, k, k, d6))
    b_ji = jnp.swapaxes(b_ij, 1, 2)
    area_ij = (b_ij[..., 2] - b_ij[..., 0]) * (b_ij[..., 3] - b_ij[..., 1])
    area_ji = (b_ji[..., 2] - b_ji[..., 0]) * (b_ji[..., 3] - b_ji[..., 1])
    righmost_left = jnp.maximum(b_ij[..., 0], b_ji[..., 0])
    downmost_top = jnp.maximum(b_ij[..., 1], b_ji[..., 1])
    leftmost_right = jnp.minimum(b_ij[..., 2], b_ji[..., 2])
    topmost_down = jnp.minimum(b_ij[..., 3], b_ji[..., 3])
    left_right = jnp.maximum(0.0, leftmost_right - righmost_left)
    up_down = jnp.maximum(0.0, topmost_down - downmost_top)
    overlap = left_right * up_down
    iou = overlap / (area_ij + area_ji - overlap)
    o_ij = overlap / area_ij
    o_ji = overlap / area_ji
    return b_ij, b_ji, iou[..., None], o_ij[..., None], o_ji[..., None]

def _forward(v_emb, b, q, embd_table, W_ih, W_hh, b_ih, b_hh, Wv, bv, Wqp, bqp, Ws, bs, Wqr, bqr, Wf, bf, Wd, bd):
    words = jnp.take(embd_table, q.T, axis=0)
    q_emb = _gru_last(words, W_ih, W_hh, b_ih, b_hh)
    v_proj = _leaky(v_emb @ Wv.T + bv)
    q_proj = _leaky(q_emb @ Wqp.T + bqp)[:, None, :]
    s = v_proj * q_proj
    kappa_0 = (s @ Ws.T + bs)[..., 0]
    wq = (q_emb @ Wqr.T + bqr)[:, 0]
    Bn, k = v_emb.shape[0], v_emb.shape[1]
    wq = jnp.broadcast_to(wq[:, None, None, None], (Bn, k, k, 1))
    norm_v = v_emb / jnp.maximum(jnp.linalg.norm(v_emb, axis=2, keepdims=True), 1e-12)
    vtv = jnp.einsum('bid,bjd->bij', norm_v, norm_v)[..., None]
    b_ij, b_ji, iou, o_ij, o_ji = _get_spatials(b)
    features = jnp.concatenate([wq, vtv, b_ij, b_ji, iou, o_ij, o_ji], axis=3)
    hid = _leaky(features @ Wf.T + bf)
    rho = (hid @ Wd.T + bd)[..., 0]
    return kappa_0, rho

def reference(v_emb, b, q, embd_table, W_ih, W_hh, b_ih, b_hh, Wv, bv, Wqp, bqp, Ws, bs, Wqr, bqr, Wf, bf, Wd, bd):
    return _forward(v_emb, b, q, embd_table, W_ih, W_hh, b_ih, b_hh, Wv, bv, Wqp, bqp, Ws, bs, Wqr, bqr, Wf, bf, Wd, bd)

if __name__ == "__main__":
    import jax
    _d = setup_inputs()
    print(jax.jit(kernel)(*tuple(_d.values())))

</pallas_src>

<mosaic_0001>
#map = affine_map<(d0, d1) -> (0, 0)>
module attributes {stable_mosaic.version = 14 : i64} {
  func.func @gather(%arg0: i32, %arg1: i32, %arg2: memref<20001x384xf32, #tpu.memory_space<hbm>>, %arg3: memref<20x128xi32, #tpu.memory_space<hbm>>, %arg4: memref<2560x384xf32, #tpu.memory_space<hbm>>, %arg5: memref<128xi32, #tpu.memory_space<vmem>>, %arg6: memref<128x384xf32, #tpu.memory_space<vmem>>, %arg7: memref<!tpu.dma_semaphore, #tpu.memory_space<semaphore_mem>>) attributes {dimension_semantics = [#tpu.dimension_semantics<core_parallel>, #tpu.dimension_semantics<subcore_parallel>], iteration_bounds = array<i64: 2, 16>, scalar_prefetch = 0 : i64, scratch_operands = 3 : i64, tpu.core_type = #tpu.core_type<sc_vector_subcore>, window_params = [{transform_indices = #map}, {transform_indices = #map}, {transform_indices = #map}]} {
    %mul3A = arith.constant 2 : i32
    %mul3A_0 = arith.muli %arg1, %mul3A : i32
    %add3A = arith.addi %mul3A_0, %arg0 : i32
    %lt3A = arith.constant 20 : i32
    %lt3A_1 = arith.cmpi slt, %add3A, %lt3A : i32
    %convert_element_type3A = arith.extui %lt3A_1 : i1 to i32
    %cond3A = arith.constant 0 : i32
    %cond3A_2 = arith.cmpi ne, %convert_element_type3A, %cond3A : i32
    scf.if %cond3A_2 {
      "tpu.region"() ({
        %run_scoped3A = tpu.sem_alloc : memref<!tpu.dma_semaphore, #tpu.memory_space<semaphore_mem>>
        %dma_start3A_9 = arith.constant 0 : i32
        %dma_start3A_10 = tpu.memref_slice %arg3[%add3A, %dma_start3A_9] : memref<20x128xi32, #tpu.memory_space<hbm>> -> memref<1x128xi32, #tpu.memory_space<hbm>>
        %dma_start3A_11 = tpu.memref_squeeze %dma_start3A_10 : memref<1x128xi32, #tpu.memory_space<hbm>> -> memref<128xi32, #tpu.memory_space<hbm>>
        %dma_start3A_12 = arith.constant 0 : i32
        %dma_start3A_13 = tpu.memref_slice %arg3[%add3A, %dma_start3A_12] : memref<20x128xi32, #tpu.memory_space<hbm>> -> memref<1x128xi32, #tpu.memory_space<hbm>>
        %dma_start3A_14 = tpu.memref_squeeze %dma_start3A_13 : memref<1x128xi32, #tpu.memory_space<hbm>> -> memref<128xi32, #tpu.memory_space<hbm>>
        tpu.enqueue_dma source(%dma_start3A_14 : memref<128xi32, #tpu.memory_space<hbm>>) target(%arg5 : memref<128xi32, #tpu.memory_space<vmem>>) target_semaphore(%run_scoped3A : memref<!tpu.dma_semaphore, #tpu.memory_space<semaphore_mem>>)
        %dma_wait3A_15 = arith.constant 0 : i32
        %dma_wait3A_16 = tpu.memref_slice %arg3[%add3A, %dma_wait3A_15] : memref<20x128xi32, #tpu.memory_space<hbm>> -> memref<1x128xi32, #tpu.memory_space<hbm>>
        %dma_wait3A_17 = tpu.memref_squeeze %dma_wait3A_16 : memref<1x128xi32, #tpu.memory_space<hbm>> -> memref<128xi32, #tpu.memory_space<hbm>>
        %dma_wait3A_18 = arith.constant 0 : i32
        %dma_wait3A_19 = tpu.memref_slice %arg3[%add3A, %dma_wait3A_18] : memref<20x128xi32, #tpu.memory_space<hbm>> -> memref<1x128xi32, #tpu.memory_space<hbm>>
        %dma_wait3A_20 = tpu.memref_squeeze %dma_wait3A_19 : memref<1x128xi32, #tpu.memory_space<hbm>> -> memref<128xi32, #tpu.memory_space<hbm>>
        tpu.wait_dma2 semaphore(%run_scoped3A : memref<!tpu.dma_semaphore, #tpu.memory_space<semaphore_mem>>) src(%dma_wait3A_20 : memref<128xi32, #tpu.memory_space<hbm>>) dst(%arg5 : memref<128xi32, #tpu.memory_space<vmem>>)
        tpu.yield
      }) : () -> ()
      %dma_start3A = arith.constant 0 : i32
      %dma_start3A_3 = arith.constant 0 : i32
      %dma_start3A_4 = tpu.memref_slice %arg2[%dma_start3A, %dma_start3A_3] : memref<20001x384xf32, #tpu.memory_space<hbm>> -> memref<20001x384xf32, #tpu.memory_space<hbm>>
      tpu.enqueue_indirect_dma source(%dma_start3A_4 : memref<20001x384xf32, #tpu.memory_space<hbm>>) target(%arg6 : memref<128x384xf32, #tpu.memory_space<vmem>>) offsets(%arg5 : memref<128xi32, #tpu.memory_space<vmem>>) semaphore(%arg7 : memref<!tpu.dma_semaphore, #tpu.memory_space<semaphore_mem>>)
      %dma_wait3A = arith.constant 0 : i32
      %dma_wait3A_5 = arith.constant 0 : i32
      %dma_wait3A_6 = tpu.memref_slice %arg2[%dma_wait3A, %dma_wait3A_5] : memref<20001x384xf32, #tpu.memory_space<hbm>> -> memref<20001x384xf32, #tpu.memory_space<hbm>>
      tpu.wait_indirect_dma semaphore(%arg7 : memref<!tpu.dma_semaphore, #tpu.memory_space<semaphore_mem>>) src(%dma_wait3A_6 : memref<20001x384xf32, #tpu.memory_space<hbm>>) dst(%arg6 : memref<128x384xf32, #tpu.memory_space<vmem>>)
      %mul3A_7 = arith.constant 128 : i32
      %mul3A_8 = arith.muli %add3A, %mul3A_7 : i32
      "tpu.region"() ({
        %run_scoped3A = tpu.sem_alloc : memref<!tpu.dma_semaphore, #tpu.memory_space<semaphore_mem>>
        %dma_start3A_9 = arith.constant 0 : i32
        %dma_start3A_10 = tpu.memref_slice %arg4[%mul3A_8, %dma_start3A_9] : memref<2560x384xf32, #tpu.memory_space<hbm>> -> memref<128x384xf32, #tpu.memory_space<hbm>>
        %dma_start3A_11 = arith.constant 0 : i32
        %dma_start3A_12 = tpu.memref_slice %arg4[%mul3A_8, %dma_start3A_11] : memref<2560x384xf32, #tpu.memory_space<hbm>> -> memref<128x384xf32, #tpu.memory_space<hbm>>
        tpu.enqueue_dma source(%arg6 : memref<128x384xf32, #tpu.memory_space<vmem>>) target(%dma_start3A_12 : memref<128x384xf32, #tpu.memory_space<hbm>>) target_semaphore(%run_scoped3A : memref<!tpu.dma_semaphore, #tpu.memory_space<semaphore_mem>>)
        %dma_wait3A_13 = arith.constant 0 : i32
        %dma_wait3A_14 = tpu.memref_slice %arg4[%mul3A_8, %dma_wait3A_13] : memref<2560x384xf32, #tpu.memory_space<hbm>> -> memref<128x384xf32, #tpu.memory_space<hbm>>
        %dma_wait3A_15 = arith.constant 0 : i32
        %dma_wait3A_16 = tpu.memref_slice %arg4[%mul3A_8, %dma_wait3A_15] : memref<2560x384xf32, #tpu.memory_space<hbm>> -> memref<128x384xf32, #tpu.memory_space<hbm>>
        tpu.wait_dma2 semaphore(%run_scoped3A : memref<!tpu.dma_semaphore, #tpu.memory_space<semaphore_mem>>) src(%arg6 : memref<128x384xf32, #tpu.memory_space<vmem>>) dst(%dma_wait3A_16 : memref<128x384xf32, #tpu.memory_space<hbm>>)
        tpu.yield
      }) : () -> ()
    } else {
    }
    return
  }
}

module attributes {stable_mosaic.version = 14 : i64} {
  func.func @_pad_body(%arg0: i32, %arg1: memref<2048x300xf32, #tpu.memory_space<vmem>>, %arg2: memref<128x20xi32, #tpu.memory_space<vmem>>, %arg3: memref<2048x384xf32, #tpu.memory_space<vmem>>, %arg4: memref<20x128xi32, #tpu.memory_space<vmem>>) attributes {dimension_semantics = [#tpu.dimension_semantics<arbitrary>], iteration_bounds = array<i64: 10>, scalar_prefetch = 0 : i64, scratch_operands = 0 : i64, tpu.core_type = #tpu.core_type<tc>, window_params = [{transform_indices = @transform_0, window_bounds = array<i64: 2048, 300>}, {pipeline_mode = #tpu.pipeline_mode<synchronous>, transform_indices = @transform_1, window_bounds = array<i64: 128, 20>}, {transform_indices = @transform_2, window_bounds = array<i64: 2048, 384>}, {pipeline_mode = #tpu.pipeline_mode<synchronous>, transform_indices = @transform_3, window_bounds = array<i64: 20, 128>}]} {
    %get3A = arith.constant 0 : index
    %get3A_0 = arith.constant 0 : index
    %get3A_1 = vector.load %arg1[%get3A, %get3A_0] : memref<2048x300xf32, #tpu.memory_space<vmem>>, vector<2048x300xf32>
    %broadcast_in_dim3A = arith.constant 0.000000e+00 : f32
    %broadcast_in_dim3A_2 = vector.broadcast %broadcast_in_dim3A : f32 to vector<2048x84xf32>
    %concatenate3A = tpu.concatenate %get3A_1, %broadcast_in_dim3A_2 in 1 : vector<2048x300xf32>, vector<2048x84xf32> -> vector<2048x384xf32>
    %swap3A = arith.constant 0 : index
    %swap3A_3 = arith.constant 0 : index
    %swap3A_4 = vector.load %arg3[%swap3A, %swap3A_3] : memref<2048x384xf32, #tpu.memory_space<vmem>>, vector<2048x384xf32>
    tpu.vector_store %arg3[%swap3A, %swap3A_3], %concatenate3A {strides = array<i32>} : memref<2048x384xf32, #tpu.memory_space<vmem>>, vector<2048x384xf32>,
    %eq3A = arith.constant 0 : i32
    %eq3A_5 = arith.cmpi eq, %arg0, %eq3A : i32
    %convert_element_type3A = arith.extui %eq3A_5 : i1 to i32
    %cond3A = arith.constant 0 : i32
    %cond3A_6 = arith.cmpi ne, %convert_element_type3A, %cond3A : i32
    scf.if %cond3A_6 {
      %get3A_7 = arith.constant 0 : index
      %get3A_8 = arith.constant 0 : index
      %get3A_9 = vector.load %arg2[%get3A_7, %get3A_8] : memref<128x20xi32, #tpu.memory_space<vmem>>, vector<128x20xi32>
      %transpose3A = tpu.transpose %get3A_9, [1, 0] : vector<128x20xi32> -> vector<20x128xi32>
      %swap3A_10 = arith.constant 0 : index
      %swap3A_11 = arith.constant 0 : index
      %swap3A_12 = vector.load %arg4[%swap3A_10, %swap3A_11] : memref<20x128xi32, #tpu.memory_space<vmem>>, vector<20x128xi32>
      tpu.vector_store %arg4[%swap3A_10, %swap3A_11], %transpose3A {strides = array<i32>} : memref<20x128xi32, #tpu.memory_space<vmem>>, vector<20x128xi32>,
    } else {
    }
    return
  }
  func.func @transform_0(%arg0: i32) -> (i32, i32) {
    %c0_i32 = arith.constant 0 : i32
    %c0_i32_0 = arith.constant 0 : i32
    return %arg0, %c0_i32 : i32, i32
  }
  func.func @transform_1(%arg0: i32) -> (i32, i32) {
    %c0_i32 = arith.constant 0 : i32
    %c0_i32_0 = arith.constant 0 : i32
    %c0_i32_1 = arith.constant 0 : i32
    return %c0_i32, %c0_i32_0 : i32, i32
  }
  func.func @transform_2(%arg0: i32) -> (i32, i32) {
    %c0_i32 = arith.constant 0 : i32
    %c0_i32_0 = arith.constant 0 : i32
    return %arg0, %c0_i32 : i32, i32
  }
  func.func @transform_3(%arg0: i32) -> (i32, i32) {
    %c0_i32 = arith.constant 0 : i32
    %c0_i32_0 = arith.constant 0 : i32
    %c0_i32_1 = arith.constant 0 : i32
    return %c0_i32, %c0_i32_0 : i32, i32
  }
}

module attributes {stable_mosaic.version = 14 : i64} {
  func.func @_gru_body(%arg0: memref<2560x384xf32, #tpu.memory_space<vmem>>, %arg1: memref<3072x300xf32, #tpu.memory_space<vmem>>, %arg2: memref<3072x1024xf32, #tpu.memory_space<vmem>>, %arg3: memref<3072xf32, #tpu.memory_space<vmem>>, %arg4: memref<3072xf32, #tpu.memory_space<vmem>>, %arg5: memref<1024x1024xf32, #tpu.memory_space<vmem>>, %arg6: memref<1x1024xf32, #tpu.memory_space<vmem>>, %arg7: memref<1x1024xf32, #tpu.memory_space<vmem>>, %arg8: memref<1x1024xf32, #tpu.memory_space<vmem>>, %arg9: memref<1x1xf32, #tpu.memory_space<vmem>>, %arg10: memref<128x1024xf32, #tpu.memory_space<vmem>>, %arg11: memref<128x1xf32, #tpu.memory_space<vmem>>, %arg12: memref<640x3072xf32, #tpu.memory_space<vmem>>) attributes {dimension_semantics = [], scalar_prefetch = 0 : i64, scratch_operands = 1 : i64, tpu.core_type = #tpu.core_type<tc>} {
    %get3A = arith.constant 0 : index
    %get3A_0 = arith.constant 0 : index
    %get3A_1 = vector.load %arg1[%get3A, %get3A_0] : memref<3072x300xf32, #tpu.memory_space<vmem>>, vector<3072x300xf32>
    %convert_element_type3A = arith.truncf %get3A_1 : vector<3072x300xf32> to vector<3072x300xbf16>
    %get3A_2 = arith.constant 0 : index
    %get3A_3 = arith.constant 0 : index
    %get3A_4 = vector.load %arg2[%get3A_2, %get3A_3] : memref<3072x1024xf32, #tpu.memory_space<vmem>>, vector<3072x1024xf32>
    %convert_element_type3A_5 = arith.truncf %get3A_4 : vector<3072x1024xf32> to vector<3072x1024xbf16>
    %get3A_6 = arith.constant 0 : index
    %get3A_7 = vector.load %arg3[%get3A_6] : memref<3072xf32, #tpu.memory_space<vmem>>, vector<3072xf32>
    %get3A_8 = arith.constant 0 : index
    %get3A_9 = vector.load %arg4[%get3A_8] : memref<3072xf32, #tpu.memory_space<vmem>>, vector<3072xf32>
    %broadcast_in_dim3A = arith.constant 0.000000e+00 : f32
    %broadcast_in_dim3A_10 = vector.broadcast %broadcast_in_dim3A : f32 to vector<128x1024xf32>
    %get3A_11 = arith.constant 0 : index
    %get3A_12 = arith.constant 0 : index
    %get3A_13 = vector.load %arg0[%get3A_11, %get3A_12] : memref<2560x384xf32, #tpu.memory_space<vmem>>, vector<640x300xf32>
    %convert_element_type3A_14 = arith.truncf %get3A_13 : vector<640x300xf32> to vector<640x300xbf16>
    %dot_general3A = arith.constant dense<0.000000e+00> : vector<640x3072xf32>
    %dot_general3A_15 = tpu.matmul %convert_element_type3A_14, %convert_element_type3A, %dot_general3A {dimension_numbers = #tpu.dot_dimension_numbers<[1], [1], [0], [0], [0, 0, 1, 0], [], []>, transpose_lhs_hint = false} : vector<640x300xbf16>, vector<3072x300xbf16>, vector<640x3072xf32> -> vector<640x3072xf32>
    %broadcast_in_dim3A_16 = vector.shape_cast %get3A_7 : vector<3072xf32> to vector<1x3072xf32>
    %add3A = vector.broadcast %broadcast_in_dim3A_16 : vector<1x3072xf32> to vector<640x3072xf32>
    %add3A_17 = arith.addf %dot_general3A_15, %add3A : vector<640x3072xf32>
    %swap3A = arith.constant 0 : index
    %swap3A_18 = arith.constant 0 : index
    %swap3A_19 = vector.load %arg12[%swap3A, %swap3A_18] : memref<640x3072xf32, #tpu.memory_space<vmem>>, vector<640x3072xf32>
    tpu.vector_store %arg12[%swap3A, %swap3A_18], %add3A_17 {strides = array<i32>} : memref<640x3072xf32, #tpu.memory_space<vmem>>, vector<640x3072xf32>,
    %scan3A = arith.constant 0 : i32
    %scan3A_20 = arith.constant 5 : i32
    %scan3A_21 = arith.addi %scan3A, %scan3A_20 : i32
    %scan3A_22 = arith.constant 1 : i32
    %scan3A_23 = scf.for %scan3A_115 = %scan3A to %scan3A_21 step %scan3A_22 iter_args(%scan3A_116 = %broadcast_in_dim3A_10) -> (vector<128x1024xf32>)  : i32 {
      %mul3A_117 = arith.constant 128 : i32
      %mul3A_118 = arith.muli %scan3A_115, %mul3A_117 : i32
      %get3A_119 = arith.index_cast %mul3A_118 : i32 to index
      %get3A_120 = arith.constant 0 : index
      %get3A_121 = vector.load %arg12[%get3A_119, %get3A_120] : memref<640x3072xf32, #tpu.memory_space<vmem>>, vector<128x3072xf32>
      %convert_element_type3A_122 = arith.truncf %scan3A_116 : vector<128x1024xf32> to vector<128x1024xbf16>
      %dot_general3A_123 = arith.constant dense<0.000000e+00> : vector<128x3072xf32>
      %dot_general3A_124 = tpu.matmul %convert_element_type3A_122, %convert_element_type3A_5, %dot_general3A_123 {dimension_numbers = #tpu.dot_dimension_numbers<[1], [1], [0], [0], [0, 0, 1, 0], [], []>, transpose_lhs_hint = false} : vector<128x1024xbf16>, vector<3072x1024xbf16>, vector<128x3072xf32> -> vector<128x3072xf32>
      %broadcast_in_dim3A_125 = vector.shape_cast %get3A_9 : vector<3072xf32> to vector<1x3072xf32>
      %add3A_126 = vector.broadcast %broadcast_in_dim3A_125 : vector<1x3072xf32> to vector<128x3072xf32>
      %add3A_127 = arith.addf %dot_general3A_124, %add3A_126 : vector<128x3072xf32>
      %slice3A = vector.extract_strided_slice %get3A_121 {offsets = [0, 0], sizes = [128, 1024], strides = [1, 1]} : vector<128x3072xf32> to vector<128x1024xf32>
      %slice3A_128 = vector.extract_strided_slice %add3A_127 {offsets = [0, 0], sizes = [128, 1024], strides = [1, 1]} : vector<128x3072xf32> to vector<128x1024xf32>
      %add3A_129 = arith.addf %slice3A, %slice3A_128 : vector<128x1024xf32>
      %logistic3A = arith.negf %add3A_129 : vector<128x1024xf32>
      %logistic3A_130 = math.exp %logistic3A : vector<128x1024xf32>
      %logistic3A_131 = arith.constant 1.000000e+00 : f32
      %logistic3A_132 = vector.broadcast %logistic3A_131 : f32 to vector<128x1024xf32>
      %logistic3A_133 = arith.addf %logistic3A_132, %logistic3A_130 : vector<128x1024xf32>
      %logistic3A_134 = arith.divf %logistic3A_132, %logistic3A_133 : vector<128x1024xf32>
      %slice3A_135 = vector.extract_strided_slice %get3A_121 {offsets = [0, 1024], sizes = [128, 1024], strides = [1, 1]} : vector<128x3072xf32> to vector<128x1024xf32>
      %slice3A_136 = vector.extract_strided_slice %add3A_127 {offsets = [0, 1024], sizes = [128, 1024], strides = [1, 1]} : vector<128x3072xf32> to vector<128x1024xf32>
      %add3A_137 = arith.addf %slice3A_135, %slice3A_136 : vector<128x1024xf32>
      %logistic3A_138 = arith.negf %add3A_137 : vector<128x1024xf32>
      %logistic3A_139 = math.exp %logistic3A_138 : vector<128x1024xf32>
      %logistic3A_140 = arith.constant 1.000000e+00 : f32
      %logistic3A_141 = vector.broadcast %logistic3A_140 : f32 to vector<128x1024xf32>
      %logistic3A_142 = arith.addf %logistic3A_141, %logistic3A_139 : vector<128x1024xf32>
      %logistic3A_143 = arith.divf %logistic3A_141, %logistic3A_142 : vector<128x1024xf32>
      %slice3A_144 = vector.extract_strided_slice %get3A_121 {offsets = [0, 2048], sizes = [128, 1024], strides = [1, 1]} : vector<128x3072xf32> to vector<128x1024xf32>
      %slice3A_145 = vector.extract_strided_slice %add3A_127 {offsets = [0, 2048], sizes = [128, 1024], strides = [1, 1]} : vector<128x3072xf32> to vector<128x1024xf32>
      %mul3A_146 = arith.mulf %logistic3A_134, %slice3A_145 : vector<128x1024xf32>
      %add3A_147 = arith.addf %slice3A_144, %mul3A_146 : vector<128x1024xf32>
      %tanh3A = math.tanh %add3A_147 : vector<128x1024xf32>
      %sub3A = arith.constant 1.000000e+00 : f32
      %sub3A_148 = vector.broadcast %sub3A : f32 to vector<128x1024xf32>
      %sub3A_149 = arith.subf %sub3A_148, %logistic3A_143 : vector<128x1024xf32>
      %mul3A_150 = arith.mulf %sub3A_149, %tanh3A : vector<128x1024xf32>
      %mul3A_151 = arith.mulf %logistic3A_143, %scan3A_116 : vector<128x1024xf32>
      %add3A_152 = arith.addf %mul3A_150, %mul3A_151 : vector<128x1024xf32>
      scf.yield %add3A_152 : vector<128x1024xf32>
    }
    %scan3A_24 = arith.constant 5 : i32
    %get3A_25 = arith.constant 640 : index
    %get3A_26 = arith.constant 0 : index
    %get3A_27 = vector.load %arg0[%get3A_25, %get3A_26] : memref<2560x384xf32, #tpu.memory_space<vmem>>, vector<640x300xf32>
    %convert_element_type3A_28 = arith.truncf %get3A_27 : vector<640x300xf32> to vector<640x300xbf16>
    %dot_general3A_29 = arith.constant dense<0.000000e+00> : vector<640x3072xf32>
    %dot_general3A_30 = tpu.matmul %convert_element_type3A_28, %convert_element_type3A, %dot_general3A_29 {dimension_numbers = #tpu.dot_dimension_numbers<[1], [1], [0], [0], [0, 0, 1, 0], [], []>, transpose_lhs_hint = false} : vector<640x300xbf16>, vector<3072x300xbf16>, vector<640x3072xf32> -> vector<640x3072xf32>
    %broadcast_in_dim3A_31 = vector.shape_cast %get3A_7 : vector<3072xf32> to vector<1x3072xf32>
    %add3A_32 = vector.broadcast %broadcast_in_dim3A_31 : vector<1x3072xf32> to vector<640x3072xf32>
    %add3A_33 = arith.addf %dot_general3A_30, %add3A_32 : vector<640x3072xf32>
    %swap3A_34 = arith.constant 0 : index
    %swap3A_35 = arith.constant 0 : index
    %swap3A_36 = vector.load %arg12[%swap3A_34, %swap3A_35] : memref<640x3072xf32, #tpu.memory_space<vmem>>, vector<640x3072xf32>
    tpu.vector_store %arg12[%swap3A_34, %swap3A_35], %add3A_33 {strides = array<i32>} : memref<640x3072xf32, #tpu.memory_space<vmem>>, vector<640x3072xf32>,
    %scan3A_37 = arith.constant 0 : i32
    %scan3A_38 = arith.constant 5 : i32
    %scan3A_39 = arith.addi %scan3A_37, %scan3A_38 : i32
    %scan3A_40 = arith.constant 1 : i32
    %scan3A_41 = scf.for %scan3A_115 = %scan3A_37 to %scan3A_39 step %scan3A_40 iter_args(%scan3A_116 = %scan3A_23) -> (vector<128x1024xf32>)  : i32 {
      %mul3A_117 = arith.constant 128 : i32
      %mul3A_118 = arith.muli %scan3A_115, %mul3A_117 : i32
      %get3A_119 = arith.index_cast %mul3A_118 : i32 to index
      %get3A_120 = arith.constant 0 : index
      %get3A_121 = vector.load %arg12[%get3A_119, %get3A_120] : memref<640x3072xf32, #tpu.memory_space<vmem>>, vector<128x3072xf32>
      %convert_element_type3A_122 = arith.truncf %scan3A_116 : vector<128x1024xf32> to vector<128x1024xbf16>
      %dot_general3A_123 = arith.constant dense<0.000000e+00> : vector<128x3072xf32>
      %dot_general3A_124 = tpu.matmul %convert_element_type3A_122, %convert_element_type3A_5, %dot_general3A_123 {dimension_numbers = #tpu.dot_dimension_numbers<[1], [1], [0], [0], [0, 0, 1, 0], [], []>, transpose_lhs_hint = false} : vector<128x1024xbf16>, vector<3072x1024xbf16>, vector<128x3072xf32> -> vector<128x3072xf32>
      %broadcast_in_dim3A_125 = vector.shape_cast %get3A_9 : vector<3072xf32> to vector<1x3072xf32>
      %add3A_126 = vector.broadcast %broadcast_in_dim3A_125 : vector<1x3072xf32> to vector<128x3072xf32>
      %add3A_127 = arith.addf %dot_general3A_124, %add3A_126 : vector<128x3072xf32>
      %slice3A = vector.extract_strided_slice %get3A_121 {offsets = [0, 0], sizes = [128, 1024], strides = [1, 1]} : vector<128x3072xf32> to vector<128x1024xf32>
      %slice3A_128 = vector.extract_strided_slice %add3A_127 {offsets = [0, 0], sizes = [128, 1024], strides = [1, 1]} : vector<128x3072xf32> to vector<128x1024xf32>
      %add3A_129 = arith.addf %slice3A, %slice3A_128 : vector<128x1024xf32>
      %logistic3A = arith.negf %add3A_129 : vector<128x1024xf32>
      %logistic3A_130 = math.exp %logistic3A : vector<128x1024xf32>
      %logistic3A_131 = arith.constant 1.000000e+00 : f32
      %logistic3A_132 = vector.broadcast %logistic3A_131 : f32 to vector<128x1024xf32>
      %logistic3A_133 = arith.addf %logistic3A_132, %logistic3A_130 : vector<128x1024xf32>
      %logistic3A_134 = arith.divf %logistic3A_132, %logistic3A_133 : vector<128x1024xf32>
      %slice3A_135 = vector.extract_strided_slice %get3A_121 {offsets = [0, 1024], sizes = [128, 1024], strides = [1, 1]} : vector<128x3072xf32> to vector<128x1024xf32>
      %slice3A_136 = vector.extract_strided_slice %add3A_127 {offsets = [0, 1024], sizes = [128, 1024], strides = [1, 1]} : vector<128x3072xf32> to vector<128x1024xf32>
      %add3A_137 = arith.addf %slice3A_135, %slice3A_136 : vector<128x1024xf32>
      %logistic3A_138 = arith.negf %add3A_137 : vector<128x1024xf32>
      %logistic3A_139 = math.exp %logistic3A_138 : vector<128x1024xf32>
      %logistic3A_140 = arith.constant 1.000000e+00 : f32
      %logistic3A_141 = vector.broadcast %logistic3A_140 : f32 to vector<128x1024xf32>
      %logistic3A_142 = arith.addf %logistic3A_141, %logistic3A_139 : vector<128x1024xf32>
      %logistic3A_143 = arith.divf %logistic3A_141, %logistic3A_142 : vector<128x1024xf32>
      %slice3A_144 = vector.extract_strided_slice %get3A_121 {offsets = [0, 2048], sizes = [128, 1024], strides = [1, 1]} : vector<128x3072xf32> to vector<128x1024xf32>
      %slice3A_145 = vector.extract_strided_slice %add3A_127 {offsets = [0, 2048], sizes = [128, 1024], strides = [1, 1]} : vector<128x3072xf32> to vector<128x1024xf32>
      %mul3A_146 = arith.mulf %logistic3A_134, %slice3A_145 : vector<128x1024xf32>
      %add3A_147 = arith.addf %slice3A_144, %mul3A_146 : vector<128x1024xf32>
      %tanh3A = math.tanh %add3A_147 : vector<128x1024xf32>
      %sub3A = arith.constant 1.000000e+00 : f32
      %sub3A_148 = vector.broadcast %sub3A : f32 to vector<128x1024xf32>
      %sub3A_149 = arith.subf %sub3A_148, %logistic3A_143 : vector<128x1024xf32>
      %mul3A_150 = arith.mulf %sub3A_149, %tanh3A : vector<128x1024xf32>
      %mul3A_151 = arith.mulf %logistic3A_143, %scan3A_116 : vector<128x1024xf32>
      %add3A_152 = arith.addf %mul3A_150, %mul3A_151 : vector<128x1024xf32>
      scf.yield %add3A_152 : vector<128x1024xf32>
    }
    %scan3A_42 = arith.constant 5 : i32
    %get3A_43 = arith.constant 1280 : index
    %get3A_44 = arith.constant 0 : index
    %get3A_45 = vector.load %arg0[%get3A_43, %get3A_44] : memref<2560x384xf32, #tpu.memory_space<vmem>>, vector<640x300xf32>
    %convert_element_type3A_46 = arith.truncf %get3A_45 : vector<640x300xf32> to vector<640x300xbf16>
    %dot_general3A_47 = arith.constant dense<0.000000e+00> : vector<640x3072xf32>
    %dot_general3A_48 = tpu.matmul %convert_element_type3A_46, %convert_element_type3A, %dot_general3A_47 {dimension_numbers = #tpu.dot_dimension_numbers<[1], [1], [0], [0], [0, 0, 1, 0], [], []>, transpose_lhs_hint = false} : vector<640x300xbf16>, vector<3072x300xbf16>, vector<640x3072xf32> -> vector<640x3072xf32>
    %broadcast_in_dim3A_49 = vector.shape_cast %get3A_7 : vector<3072xf32> to vector<1x3072xf32>
    %add3A_50 = vector.broadcast %broadcast_in_dim3A_49 : vector<1x3072xf32> to vector<640x3072xf32>
    %add3A_51 = arith.addf %dot_general3A_48, %add3A_50 : vector<640x3072xf32>
    %swap3A_52 = arith.constant 0 : index
    %swap3A_53 = arith.constant 0 : index
    %swap3A_54 = vector.load %arg12[%swap3A_52, %swap3A_53] : memref<640x3072xf32, #tpu.memory_space<vmem>>, vector<640x3072xf32>
    tpu.vector_store %arg12[%swap3A_52, %swap3A_53], %add3A_51 {strides = array<i32>} : memref<640x3072xf32, #tpu.memory_space<vmem>>, vector<640x3072xf32>,
    %scan3A_55 = arith.constant 0 : i32
    %scan3A_56 = arith.constant 5 : i32
    %scan3A_57 = arith.addi %scan3A_55, %scan3A_56 : i32
    %scan3A_58 = arith.constant 1 : i32
    %scan3A_59 = scf.for %scan3A_115 = %scan3A_55 to %scan3A_57 step %scan3A_58 iter_args(%scan3A_116 = %scan3A_41) -> (vector<128x1024xf32>)  : i32 {
      %mul3A_117 = arith.constant 128 : i32
      %mul3A_118 = arith.muli %scan3A_115, %mul3A_117 : i32
      %get3A_119 = arith.index_cast %mul3A_118 : i32 to index
      %get3A_120 = arith.constant 0 : index
      %get3A_121 = vector.load %arg12[%get3A_119, %get3A_120] : memref<640x3072xf32, #tpu.memory_space<vmem>>, vector<128x3072xf32>
      %convert_element_type3A_122 = arith.truncf %scan3A_116 : vector<128x1024xf32> to vector<128x1024xbf16>
      %dot_general3A_123 = arith.constant dense<0.000000e+00> : vector<128x3072xf32>
      %dot_general3A_124 = tpu.matmul %convert_element_type3A_122, %convert_element_type3A_5, %dot_general3A_123 {dimension_numbers = #tpu.dot_dimension_numbers<[1], [1], [0], [0], [0, 0, 1, 0], [], []>, transpose_lhs_hint = false} : vector<128x1024xbf16>, vector<3072x1024xbf16>, vector<128x3072xf32> -> vector<128x3072xf32>
      %broadcast_in_dim3A_125 = vector.shape_cast %get3A_9 : vector<3072xf32> to vector<1x3072xf32>
      %add3A_126 = vector.broadcast %broadcast_in_dim3A_125 : vector<1x3072xf32> to vector<128x3072xf32>
      %add3A_127 = arith.addf %dot_general3A_124, %add3A_126 : vector<128x3072xf32>
      %slice3A = vector.extract_strided_slice %get3A_121 {offsets = [0, 0], sizes = [128, 1024], strides = [1, 1]} : vector<128x3072xf32> to vector<128x1024xf32>
      %slice3A_128 = vector.extract_strided_slice %add3A_127 {offsets = [0, 0], sizes = [128, 1024], strides = [1, 1]} : vector<128x3072xf32> to vector<128x1024xf32>
      %add3A_129 = arith.addf %slice3A, %slice3A_128 : vector<128x1024xf32>
      %logistic3A = arith.negf %add3A_129 : vector<128x1024xf32>
      %logistic3A_130 = math.exp %logistic3A : vector<128x1024xf32>
      %logistic3A_131 = arith.constant 1.000000e+00 : f32
      %logistic3A_132 = vector.broadcast %logistic3A_131 : f32 to vector<128x1024xf32>
      %logistic3A_133 = arith.addf %logistic3A_132, %logistic3A_130 : vector<128x1024xf32>
      %logistic3A_134 = arith.divf %logistic3A_132, %logistic3A_133 : vector<128x1024xf32>
      %slice3A_135 = vector.extract_strided_slice %get3A_121 {offsets = [0, 1024], sizes = [128, 1024], strides = [1, 1]} : vector<128x3072xf32> to vector<128x1024xf32>
      %slice3A_136 = vector.extract_strided_slice %add3A_127 {offsets = [0, 1024], sizes = [128, 1024], strides = [1, 1]} : vector<128x3072xf32> to vector<128x1024xf32>
      %add3A_137 = arith.addf %slice3A_135, %slice3A_136 : vector<128x1024xf32>
      %logistic3A_138 = arith.negf %add3A_137 : vector<128x1024xf32>
      %logistic3A_139 = math.exp %logistic3A_138 : vector<128x1024xf32>
      %logistic3A_140 = arith.constant 1.000000e+00 : f32
      %logistic3A_141 = vector.broadcast %logistic3A_140 : f32 to vector<128x1024xf32>
      %logistic3A_142 = arith.addf %logistic3A_141, %logistic3A_139 : vector<128x1024xf32>
      %logistic3A_143 = arith.divf %logistic3A_141, %logistic3A_142 : vector<128x1024xf32>
      %slice3A_144 = vector.extract_strided_slice %get3A_121 {offsets = [0, 2048], sizes = [128, 1024], strides = [1, 1]} : vector<128x3072xf32> to vector<128x1024xf32>
      %slice3A_145 = vector.extract_strided_slice %add3A_127 {offsets = [0, 2048], sizes = [128, 1024], strides = [1, 1]} : vector<128x3072xf32> to vector<128x1024xf32>
      %mul3A_146 = arith.mulf %logistic3A_134, %slice3A_145 : vector<128x1024xf32>
      %add3A_147 = arith.addf %slice3A_144, %mul3A_146 : vector<128x1024xf32>
      %tanh3A = math.tanh %add3A_147 : vector<128x1024xf32>
      %sub3A = arith.constant 1.000000e+00 : f32
      %sub3A_148 = vector.broadcast %sub3A : f32 to vector<128x1024xf32>
      %sub3A_149 = arith.subf %sub3A_148, %logistic3A_143 : vector<128x1024xf32>
      %mul3A_150 = arith.mulf %sub3A_149, %tanh3A : vector<128x1024xf32>
      %mul3A_151 = arith.mulf %logistic3A_143, %scan3A_116 : vector<128x1024xf32>
      %add3A_152 = arith.addf %mul3A_150, %mul3A_151 : vector<128x1024xf32>
      scf.yield %add3A_152 : vector<128x1024xf32>
    }
    %scan3A_60 = arith.constant 5 : i32
    %get3A_61 = arith.constant 1920 : index
    %get3A_62 = arith.constant 0 : index
    %get3A_63 = vector.load %arg0[%get3A_61, %get3A_62] : memref<2560x384xf32, #tpu.memory_space<vmem>>, vector<640x300xf32>
    %convert_element_type3A_64 = arith.truncf %get3A_63 : vector<640x300xf32> to vector<640x300xbf16>
    %dot_general3A_65 = arith.constant dense<0.000000e+00> : vector<640x3072xf32>
    %dot_general3A_66 = tpu.matmul %convert_element_type3A_64, %convert_element_type3A, %dot_general3A_65 {dimension_numbers = #tpu.dot_dimension_numbers<[1], [1], [0], [0], [0, 0, 1, 0], [], []>, transpose_lhs_hint = false} : vector<640x300xbf16>, vector<3072x300xbf16>, vector<640x3072xf32> -> vector<640x3072xf32>
    %broadcast_in_dim3A_67 = vector.shape_cast %get3A_7 : vector<3072xf32> to vector<1x3072xf32>
    %add3A_68 = vector.broadcast %broadcast_in_dim3A_67 : vector<1x3072xf32> to vector<640x3072xf32>
    %add3A_69 = arith.addf %dot_general3A_66, %add3A_68 : vector<640x3072xf32>
    %swap3A_70 = arith.constant 0 : index
    %swap3A_71 = arith.constant 0 : index
    %swap3A_72 = vector.load %arg12[%swap3A_70, %swap3A_71] : memref<640x3072xf32, #tpu.memory_space<vmem>>, vector<640x3072xf32>
    tpu.vector_store %arg12[%swap3A_70, %swap3A_71], %add3A_69 {strides = array<i32>} : memref<640x3072xf32, #tpu.memory_space<vmem>>, vector<640x3072xf32>,
    %scan3A_73 = arith.constant 0 : i32
    %scan3A_74 = arith.constant 5 : i32
    %scan3A_75 = arith.addi %scan3A_73, %scan3A_74 : i32
    %scan3A_76 = arith.constant 1 : i32
    %scan3A_77 = scf.for %scan3A_115 = %scan3A_73 to %scan3A_75 step %scan3A_76 iter_args(%scan3A_116 = %scan3A_59) -> (vector<128x1024xf32>)  : i32 {
      %mul3A_117 = arith.constant 128 : i32
      %mul3A_118 = arith.muli %scan3A_115, %mul3A_117 : i32
      %get3A_119 = arith.index_cast %mul3A_118 : i32 to index
      %get3A_120 = arith.constant 0 : index
      %get3A_121 = vector.load %arg12[%get3A_119, %get3A_120] : memref<640x3072xf32, #tpu.memory_space<vmem>>, vector<128x3072xf32>
      %convert_element_type3A_122 = arith.truncf %scan3A_116 : vector<128x1024xf32> to vector<128x1024xbf16>
      %dot_general3A_123 = arith.constant dense<0.000000e+00> : vector<128x3072xf32>
      %dot_general3A_124 = tpu.matmul %convert_element_type3A_122, %convert_element_type3A_5, %dot_general3A_123 {dimension_numbers = #tpu.dot_dimension_numbers<[1], [1], [0], [0], [0, 0, 1, 0], [], []>, transpose_lhs_hint = false} : vector<128x1024xbf16>, vector<3072x1024xbf16>, vector<128x3072xf32> -> vector<128x3072xf32>
      %broadcast_in_dim3A_125 = vector.shape_cast %get3A_9 : vector<3072xf32> to vector<1x3072xf32>
      %add3A_126 = vector.broadcast %broadcast_in_dim3A_125 : vector<1x3072xf32> to vector<128x3072xf32>
      %add3A_127 = arith.addf %dot_general3A_124, %add3A_126 : vector<128x3072xf32>
      %slice3A = vector.extract_strided_slice %get3A_121 {offsets = [0, 0], sizes = [128, 1024], strides = [1, 1]} : vector<128x3072xf32> to vector<128x1024xf32>
      %slice3A_128 = vector.extract_strided_slice %add3A_127 {offsets = [0, 0], sizes = [128, 1024], strides = [1, 1]} : vector<128x3072xf32> to vector<128x1024xf32>
      %add3A_129 = arith.addf %slice3A, %slice3A_128 : vector<128x1024xf32>
      %logistic3A = arith.negf %add3A_129 : vector<128x1024xf32>
      %logistic3A_130 = math.exp %logistic3A : vector<128x1024xf32>
      %logistic3A_131 = arith.constant 1.000000e+00 : f32
      %logistic3A_132 = vector.broadcast %logistic3A_131 : f32 to vector<128x1024xf32>
      %logistic3A_133 = arith.addf %logistic3A_132, %logistic3A_130 : vector<128x1024xf32>
      %logistic3A_134 = arith.divf %logistic3A_132, %logistic3A_133 : vector<128x1024xf32>
      %slice3A_135 = vector.extract_strided_slice %get3A_121 {offsets = [0, 1024], sizes = [128, 1024], strides = [1, 1]} : vector<128x3072xf32> to vector<128x1024xf32>
      %slice3A_136 = vector.extract_strided_slice %add3A_127 {offsets = [0, 1024], sizes = [128, 1024], strides = [1, 1]} : vector<128x3072xf32> to vector<128x1024xf32>
      %add3A_137 = arith.addf %slice3A_135, %slice3A_136 : vector<128x1024xf32>
      %logistic3A_138 = arith.negf %add3A_137 : vector<128x1024xf32>
      %logistic3A_139 = math.exp %logistic3A_138 : vector<128x1024xf32>
      %logistic3A_140 = arith.constant 1.000000e+00 : f32
      %logistic3A_141 = vector.broadcast %logistic3A_140 : f32 to vector<128x1024xf32>
      %logistic3A_142 = arith.addf %logistic3A_141, %logistic3A_139 : vector<128x1024xf32>
      %logistic3A_143 = arith.divf %logistic3A_141, %logistic3A_142 : vector<128x1024xf32>
      %slice3A_144 = vector.extract_strided_slice %get3A_121 {offsets = [0, 2048], sizes = [128, 1024], strides = [1, 1]} : vector<128x3072xf32> to vector<128x1024xf32>
      %slice3A_145 = vector.extract_strided_slice %add3A_127 {offsets = [0, 2048], sizes = [128, 1024], strides = [1, 1]} : vector<128x3072xf32> to vector<128x1024xf32>
      %mul3A_146 = arith.mulf %logistic3A_134, %slice3A_145 : vector<128x1024xf32>
      %add3A_147 = arith.addf %slice3A_144, %mul3A_146 : vector<128x1024xf32>
      %tanh3A = math.tanh %add3A_147 : vector<128x1024xf32>
      %sub3A = arith.constant 1.000000e+00 : f32
      %sub3A_148 = vector.broadcast %sub3A : f32 to vector<128x1024xf32>
      %sub3A_149 = arith.subf %sub3A_148, %logistic3A_143 : vector<128x1024xf32>
      %mul3A_150 = arith.mulf %sub3A_149, %tanh3A : vector<128x1024xf32>
      %mul3A_151 = arith.mulf %logistic3A_143, %scan3A_116 : vector<128x1024xf32>
      %add3A_152 = arith.addf %mul3A_150, %mul3A_151 : vector<128x1024xf32>
      scf.yield %add3A_152 : vector<128x1024xf32>
    }
    %scan3A_78 = arith.constant 5 : i32
    %get3A_79 = arith.constant 0 : index
    %get3A_80 = arith.constant 0 : index
    %get3A_81 = vector.load %arg5[%get3A_79, %get3A_80] : memref<1024x1024xf32, #tpu.memory_space<vmem>>, vector<1024x1024xf32>
    %dot_general3A_82 = arith.constant dense<0.000000e+00> : vector<128x1024xf32>
    %dot_general3A_83 = tpu.matmul %scan3A_77, %get3A_81, %dot_general3A_82 {dimension_numbers = #tpu.dot_dimension_numbers<[1], [1], [0], [0], [0, 0, 1, 0], [], []>, transpose_lhs_hint = false} : vector<128x1024xf32>, vector<1024x1024xf32>, vector<128x1024xf32> -> vector<128x1024xf32>
    %get3A_84 = arith.constant 0 : index
    %get3A_85 = arith.constant 0 : index
    %get3A_86 = vector.load %arg6[%get3A_84, %get3A_85] : memref<1x1024xf32, #tpu.memory_space<vmem>>, vector<1x1024xf32>
    %add3A_87 = vector.broadcast %get3A_86 : vector<1x1024xf32> to vector<128x1024xf32>
    %add3A_88 = arith.addf %dot_general3A_83, %add3A_87 : vector<128x1024xf32>
    %jit3A = arith.constant 0.00999999977 : f32
    %ge3A = arith.constant 0.000000e+00 : f32
    %ge3A_89 = vector.broadcast %ge3A : f32 to vector<128x1024xf32>
    %ge3A_90 = arith.cmpf oge, %add3A_88, %ge3A_89 : vector<128x1024xf32>
    %mul3A = vector.broadcast %jit3A : f32 to vector<128x1024xf32>
    %mul3A_91 = arith.mulf %mul3A, %add3A_88 : vector<128x1024xf32>
    %select_n3A = arith.select %ge3A_90, %add3A_88, %mul3A_91 : vector<128x1024xi1>, vector<128x1024xf32>
    %get3A_92 = arith.constant 0 : index
    %get3A_93 = arith.constant 0 : index
    %get3A_94 = vector.load %arg7[%get3A_92, %get3A_93] : memref<1x1024xf32, #tpu.memory_space<vmem>>, vector<1x1024xf32>
    %mul3A_95 = vector.broadcast %get3A_94 : vector<1x1024xf32> to vector<128x1024xf32>
    %mul3A_96 = arith.mulf %select_n3A, %mul3A_95 : vector<128x1024xf32>
    %swap3A_97 = arith.constant 0 : index
    %swap3A_98 = arith.constant 0 : index
    %swap3A_99 = vector.load %arg10[%swap3A_97, %swap3A_98] : memref<128x1024xf32, #tpu.memory_space<vmem>>, vector<128x1024xf32>
    tpu.vector_store %arg10[%swap3A_97, %swap3A_98], %mul3A_96 {strides = array<i32>} : memref<128x1024xf32, #tpu.memory_space<vmem>>, vector<128x1024xf32>,
    %get3A_100 = arith.constant 0 : index
    %get3A_101 = arith.constant 0 : index
    %get3A_102 = vector.load %arg8[%get3A_100, %get3A_101] : memref<1x1024xf32, #tpu.memory_space<vmem>>, vector<1x1024xf32>
    %mul3A_103 = vector.broadcast %get3A_102 : vector<1x1024xf32> to vector<128x1024xf32>
    %mul3A_104 = arith.mulf %scan3A_77, %mul3A_103 : vector<128x1024xf32>
    %reduce_sum3A = arith.constant dense<0.000000e+00> : vector<128xf32>
    %reduce_sum3A_105 = vector.multi_reduction <add>, %mul3A_104, %reduce_sum3A [1] : vector<128x1024xf32> to vector<128xf32>
    %broadcast_in_dim3A_106 = vector.shape_cast %reduce_sum3A_105 : vector<128xf32> to vector<128x1xf32>
    %get3A_107 = arith.constant 0 : index
    %get3A_108 = arith.constant 0 : index
    %get3A_109 = vector.load %arg9[%get3A_107, %get3A_108] : memref<1x1xf32, #tpu.memory_space<vmem>>, vector<1x1xf32>
    %add3A_110 = vector.broadcast %get3A_109 : vector<1x1xf32> to vector<128x1xf32>
    %add3A_111 = arith.addf %broadcast_in_dim3A_106, %add3A_110 : vector<128x1xf32>
    %swap3A_112 = arith.constant 0 : index
    %swap3A_113 = arith.constant 0 : index
    %swap3A_114 = vector.load %arg11[%swap3A_112, %swap3A_113] : memref<128x1xf32, #tpu.memory_space<vmem>>, vector<128x1xf32>
    tpu.vector_store %arg11[%swap3A_112, %swap3A_113], %add3A_111 {strides = array<i32>} : memref<128x1xf32, #tpu.memory_space<vmem>>, vector<128x1xf32>,
    return
  }
}

module attributes {stable_mosaic.version = 14 : i64} {
  func.func @_head_body(%arg0: i32, %arg1: memref<8x36x2048xf32, #tpu.memory_space<vmem>>, %arg2: memref<8x36x6xf32, #tpu.memory_space<vmem>>, %arg3: memref<8x1024xf32, #tpu.memory_space<vmem>>, %arg4: memref<8x1xf32, #tpu.memory_space<vmem>>, %arg5: memref<1024x2048xf32, #tpu.memory_space<vmem>>, %arg6: memref<1x1024xf32, #tpu.memory_space<vmem>>, %arg7: memref<100x6xf32, #tpu.memory_space<vmem>>, %arg8: memref<100x6xf32, #tpu.memory_space<vmem>>, %arg9: memref<7x100xf32, #tpu.memory_space<vmem>>, %arg10: memref<1xf32, #tpu.memory_space<smem>>, %arg11: memref<1xf32, #tpu.memory_space<smem>>, %arg12: memref<8x36xf32, #tpu.memory_space<vmem>>, %arg13: memref<8x36x36xf32, #tpu.memory_space<vmem>>, %arg14: memref<288x288xf32, #tpu.memory_space<vmem>>, %arg15: memref<36x36xf32, #tpu.memory_space<vmem>>, %arg16: memref<288x8xf32, #tpu.memory_space<vmem>>) attributes {dimension_semantics = [#tpu.dimension_semantics<arbitrary>], iteration_bounds = array<i64: 16>, scalar_prefetch = 0 : i64, scratch_operands = 3 : i64, tpu.core_type = #tpu.core_type<tc>, window_params = [{transform_indices = @transform_0, window_bounds = array<i64: 8, 36, 2048>}, {transform_indices = @transform_1, window_bounds = array<i64: 8, 36, 6>}, {transform_indices = @transform_2, window_bounds = array<i64: 8, 1024>}, {transform_indices = @transform_3, window_bounds = array<i64: 8, 1>}, {pipeline_mode = #tpu.pipeline_mode<synchronous>, transform_indices = @transform_4, window_bounds = array<i64: 1024, 2048>}, {pipeline_mode = #tpu.pipeline_mode<synchronous>, transform_indices = @transform_5, window_bounds = array<i64: 1, 1024>}, {pipeline_mode = #tpu.pipeline_mode<synchronous>, transform_indices = @transform_6, window_bounds = array<i64: 100, 6>}, {pipeline_mode = #tpu.pipeline_mode<synchronous>, transform_indices = @transform_7, window_bounds = array<i64: 100, 6>}, {pipeline_mode = #tpu.pipeline_mode<synchronous>, transform_indices = @transform_8, window_bounds = array<i64: 7, 100>}, {transform_indices = @transform_9, window_bounds = array<i64: 1>}, {transform_indices = @transform_10, window_bounds = array<i64: 1>}, {transform_indices = @transform_11, window_bounds = array<i64: 8, 36>}, {transform_indices = @transform_12, window_bounds = array<i64: 8, 36, 36>}]} {
    %get3A = arith.constant 0 : index
    %get3A_0 = arith.constant 0 : index
    %get3A_1 = arith.constant 0 : index
    %get3A_2 = vector.load %arg1[%get3A, %get3A_0, %get3A_1] : memref<8x36x2048xf32, #tpu.memory_space<vmem>>, vector<1x36x2048xf32>
    %get3A_3 = vector.shape_cast %get3A_2 : vector<1x36x2048xf32> to vector<36x2048xf32>
    %get3A_4 = arith.constant 1 : index
    %get3A_5 = arith.constant 0 : index
    %get3A_6 = arith.constant 0 : index
    %get3A_7 = vector.load %arg1[%get3A_4, %get3A_5, %get3A_6] : memref<8x36x2048xf32, #tpu.memory_space<vmem>>, vector<1x36x2048xf32>
    %get3A_8 = vector.shape_cast %get3A_7 : vector<1x36x2048xf32> to vector<36x2048xf32>
    %get3A_9 = arith.constant 2 : index
    %get3A_10 = arith.constant 0 : index
    %get3A_11 = arith.constant 0 : index
    %get3A_12 = vector.load %arg1[%get3A_9, %get3A_10, %get3A_11] : memref<8x36x2048xf32, #tpu.memory_space<vmem>>, vector<1x36x2048xf32>
    %get3A_13 = vector.shape_cast %get3A_12 : vector<1x36x2048xf32> to vector<36x2048xf32>
    %get3A_14 = arith.constant 3 : index
    %get3A_15 = arith.constant 0 : index
    %get3A_16 = arith.constant 0 : index
    %get3A_17 = vector.load %arg1[%get3A_14, %get3A_15, %get3A_16] : memref<8x36x2048xf32, #tpu.memory_space<vmem>>, vector<1x36x2048xf32>
    %get3A_18 = vector.shape_cast %get3A_17 : vector<1x36x2048xf32> to vector<36x2048xf32>
    %get3A_19 = arith.constant 4 : index
    %get3A_20 = arith.constant 0 : index
    %get3A_21 = arith.constant 0 : index
    %get3A_22 = vector.load %arg1[%get3A_19, %get3A_20, %get3A_21] : memref<8x36x2048xf32, #tpu.memory_space<vmem>>, vector<1x36x2048xf32>
    %get3A_23 = vector.shape_cast %get3A_22 : vector<1x36x2048xf32> to vector<36x2048xf32>
    %get3A_24 = arith.constant 5 : index
    %get3A_25 = arith.constant 0 : index
    %get3A_26 = arith.constant 0 : index
    %get3A_27 = vector.load %arg1[%get3A_24, %get3A_25, %get3A_26] : memref<8x36x2048xf32, #tpu.memory_space<vmem>>, vector<1x36x2048xf32>
    %get3A_28 = vector.shape_cast %get3A_27 : vector<1x36x2048xf32> to vector<36x2048xf32>
    %get3A_29 = arith.constant 6 : index
    %get3A_30 = arith.constant 0 : index
    %get3A_31 = arith.constant 0 : index
    %get3A_32 = vector.load %arg1[%get3A_29, %get3A_30, %get3A_31] : memref<8x36x2048xf32, #tpu.memory_space<vmem>>, vector<1x36x2048xf32>
    %get3A_33 = vector.shape_cast %get3A_32 : vector<1x36x2048xf32> to vector<36x2048xf32>
    %get3A_34 = arith.constant 7 : index
    %get3A_35 = arith.constant 0 : index
    %get3A_36 = arith.constant 0 : index
    %get3A_37 = vector.load %arg1[%get3A_34, %get3A_35, %get3A_36] : memref<8x36x2048xf32, #tpu.memory_space<vmem>>, vector<1x36x2048xf32>
    %get3A_38 = vector.shape_cast %get3A_37 : vector<1x36x2048xf32> to vector<36x2048xf32>
    %concatenate3A = tpu.concatenate %get3A_3, %get3A_8, %get3A_13, %get3A_18, %get3A_23, %get3A_28, %get3A_33, %get3A_38 in 0 : vector<36x2048xf32>, vector<36x2048xf32>, vector<36x2048xf32>, vector<36x2048xf32>, vector<36x2048xf32>, vector<36x2048xf32>, vector<36x2048xf32>, vector<36x2048xf32> -> vector<288x2048xf32>
    %convert_element_type3A = arith.truncf %concatenate3A : vector<288x2048xf32> to vector<288x2048xbf16>
    %get3A_39 = arith.constant 0 : index
    %get3A_40 = arith.constant 0 : index
    %get3A_41 = vector.load %arg5[%get3A_39, %get3A_40] : memref<1024x2048xf32, #tpu.memory_space<vmem>>, vector<1024x2048xf32>
    %convert_element_type3A_42 = arith.truncf %get3A_41 : vector<1024x2048xf32> to vector<1024x2048xbf16>
    %dot_general3A = arith.constant dense<0.000000e+00> : vector<288x1024xf32>
    %dot_general3A_43 = tpu.matmul %convert_element_type3A, %convert_element_type3A_42, %dot_general3A {dimension_numbers = #tpu.dot_dimension_numbers<[1], [1], [0], [0], [0, 0, 1, 0], [], []>, transpose_lhs_hint = false} : vector<288x2048xbf16>, vector<1024x2048xbf16>, vector<288x1024xf32> -> vector<288x1024xf32>
    %get3A_44 = arith.constant 0 : index
    %get3A_45 = arith.constant 0 : index
    %get3A_46 = vector.load %arg6[%get3A_44, %get3A_45] : memref<1x1024xf32, #tpu.memory_space<vmem>>, vector<1x1024xf32>
    %add3A = vector.broadcast %get3A_46 : vector<1x1024xf32> to vector<288x1024xf32>
    %add3A_47 = arith.addf %dot_general3A_43, %add3A : vector<288x1024xf32>
    %jit3A = arith.constant 0.00999999977 : f32
    %ge3A = arith.constant 0.000000e+00 : f32
    %ge3A_48 = vector.broadcast %ge3A : f32 to vector<288x1024xf32>
    %ge3A_49 = arith.cmpf oge, %add3A_47, %ge3A_48 : vector<288x1024xf32>
    %mul3A = vector.broadcast %jit3A : f32 to vector<288x1024xf32>
    %mul3A_50 = arith.mulf %mul3A, %add3A_47 : vector<288x1024xf32>
    %select_n3A = arith.select %ge3A_49, %add3A_47, %mul3A_50 : vector<288x1024xi1>, vector<288x1024xf32>
    %get3A_51 = arith.constant 0 : index
    %get3A_52 = arith.constant 0 : index
    %get3A_53 = vector.load %arg3[%get3A_51, %get3A_52] : memref<8x1024xf32, #tpu.memory_space<vmem>>, vector<8x1024xf32>
    %convert_element_type3A_54 = arith.truncf %select_n3A : vector<288x1024xf32> to vector<288x1024xbf16>
    %convert_element_type3A_55 = arith.truncf %get3A_53 : vector<8x1024xf32> to vector<8x1024xbf16>
    %dot_general3A_56 = arith.constant dense<0.000000e+00> : vector<288x8xf32>
    %dot_general3A_57 = tpu.matmul %convert_element_type3A_54, %convert_element_type3A_55, %dot_general3A_56 {dimension_numbers = #tpu.dot_dimension_numbers<[1], [1], [0], [0], [0, 0, 1, 0], [], []>, transpose_lhs_hint = false} : vector<288x1024xbf16>, vector<8x1024xbf16>, vector<288x8xf32> -> vector<288x8xf32>
    %swap3A = arith.constant 0 : index
    %swap3A_58 = arith.constant 0 : index
    %swap3A_59 = vector.load %arg16[%swap3A, %swap3A_58] : memref<288x8xf32, #tpu.memory_space<vmem>>, vector<288x8xf32>
    tpu.vector_store %arg16[%swap3A, %swap3A_58], %dot_general3A_57 {strides = array<i32>} : memref<288x8xf32, #tpu.memory_space<vmem>>, vector<288x8xf32>,
    %get3A_60 = arith.constant 0 : index
    %get3A_61 = arith.constant 0 : index
    %get3A_62 = vector.load %arg16[%get3A_60, %get3A_61] : memref<288x8xf32, #tpu.memory_space<vmem>>, vector<36x1xf32>
    %transpose3A = tpu.transpose %get3A_62, [1, 0] : vector<36x1xf32> -> vector<1x36xf32>
    %get3A_63 = arith.constant 36 : index
    %get3A_64 = arith.constant 1 : index
    %get3A_65 = vector.load %arg16[%get3A_63, %get3A_64] : memref<288x8xf32, #tpu.memory_space<vmem>>, vector<36x1xf32>
    %transpose3A_66 = tpu.transpose %get3A_65, [1, 0] : vector<36x1xf32> -> vector<1x36xf32>
    %get3A_67 = arith.constant 72 : index
    %get3A_68 = arith.constant 2 : index
    %get3A_69 = vector.load %arg16[%get3A_67, %get3A_68] : memref<288x8xf32, #tpu.memory_space<vmem>>, vector<36x1xf32>
    %transpose3A_70 = tpu.transpose %get3A_69, [1, 0] : vector<36x1xf32> -> vector<1x36xf32>
    %get3A_71 = arith.constant 108 : index
    %get3A_72 = arith.constant 3 : index
    %get3A_73 = vector.load %arg16[%get3A_71, %get3A_72] : memref<288x8xf32, #tpu.memory_space<vmem>>, vector<36x1xf32>
    %transpose3A_74 = tpu.transpose %get3A_73, [1, 0] : vector<36x1xf32> -> vector<1x36xf32>
    %get3A_75 = arith.constant 144 : index
    %get3A_76 = arith.constant 4 : index
    %get3A_77 = vector.load %arg16[%get3A_75, %get3A_76] : memref<288x8xf32, #tpu.memory_space<vmem>>, vector<36x1xf32>
    %transpose3A_78 = tpu.transpose %get3A_77, [1, 0] : vector<36x1xf32> -> vector<1x36xf32>
    %get3A_79 = arith.constant 180 : index
    %get3A_80 = arith.constant 5 : index
    %get3A_81 = vector.load %arg16[%get3A_79, %get3A_80] : memref<288x8xf32, #tpu.memory_space<vmem>>, vector<36x1xf32>
    %transpose3A_82 = tpu.transpose %get3A_81, [1, 0] : vector<36x1xf32> -> vector<1x36xf32>
    %get3A_83 = arith.constant 216 : index
    %get3A_84 = arith.constant 6 : index
    %get3A_85 = vector.load %arg16[%get3A_83, %get3A_84] : memref<288x8xf32, #tpu.memory_space<vmem>>, vector<36x1xf32>
    %transpose3A_86 = tpu.transpose %get3A_85, [1, 0] : vector<36x1xf32> -> vector<1x36xf32>
    %get3A_87 = arith.constant 252 : index
    %get3A_88 = arith.constant 7 : index
    %get3A_89 = vector.load %arg16[%get3A_87, %get3A_88] : memref<288x8xf32, #tpu.memory_space<vmem>>, vector<36x1xf32>
    %transpose3A_90 = tpu.transpose %get3A_89, [1, 0] : vector<36x1xf32> -> vector<1x36xf32>
    %concatenate3A_91 = tpu.concatenate %transpose3A, %transpose3A_66, %transpose3A_70, %transpose3A_74, %transpose3A_78, %transpose3A_82, %transpose3A_86, %transpose3A_90 in 0 : vector<1x36xf32>, vector<1x36xf32>, vector<1x36xf32>, vector<1x36xf32>, vector<1x36xf32>, vector<1x36xf32>, vector<1x36xf32>, vector<1x36xf32> -> vector<8x36xf32>
    %get3A_92 = arith.constant 0 : index
    %get3A_93 = memref.load %arg10[%get3A_92] : memref<1xf32, #tpu.memory_space<smem>>
    %add3A_94 = vector.broadcast %get3A_93 : f32 to vector<8x36xf32>
    %add3A_95 = arith.addf %concatenate3A_91, %add3A_94 : vector<8x36xf32>
    %swap3A_96 = arith.constant 0 : index
    %swap3A_97 = arith.constant 0 : index
    %swap3A_98 = vector.load %arg12[%swap3A_96, %swap3A_97] : memref<8x36xf32, #tpu.memory_space<vmem>>, vector<8x36xf32>
    tpu.vector_store %arg12[%swap3A_96, %swap3A_97], %add3A_95 {strides = array<i32>} : memref<8x36xf32, #tpu.memory_space<vmem>>, vector<8x36xf32>,
    %mul3A_99 = arith.mulf %concatenate3A, %concatenate3A : vector<288x2048xf32>
    %reduce_sum3A = arith.constant dense<0.000000e+00> : vector<288xf32>
    %reduce_sum3A_100 = vector.multi_reduction <add>, %mul3A_99, %reduce_sum3A [1] : vector<288x2048xf32> to vector<288xf32>
    %broadcast_in_dim3A = vector.shape_cast %reduce_sum3A_100 : vector<288xf32> to vector<288x1xf32>
    %sqrt3A = math.sqrt %broadcast_in_dim3A : vector<288x1xf32>
    %max3A = arith.constant 9.99999996E-13 : f32
    %max3A_101 = vector.broadcast %max3A : f32 to vector<288x1xf32>
    %max3A_102 = arith.maximumf %sqrt3A, %max3A_101 : vector<288x1xf32>
    %div3A = arith.constant 1.000000e+00 : f32
    %div3A_103 = vector.broadcast %div3A : f32 to vector<288x1xf32>
    %div3A_104 = arith.divf %div3A_103, %max3A_102 : vector<288x1xf32>
    %mul3A_105 = vector.broadcast %div3A_104 : vector<288x1xf32> to vector<288x2048xf32>
    %mul3A_106 = arith.mulf %concatenate3A, %mul3A_105 : vector<288x2048xf32>
    %convert_element_type3A_107 = arith.truncf %mul3A_106 : vector<288x2048xf32> to vector<288x2048xbf16>
    %dot_general3A_108 = arith.constant dense<0.000000e+00> : vector<288x288xf32>
    %dot_general3A_109 = tpu.matmul %convert_element_type3A_107, %convert_element_type3A_107, %dot_general3A_108 {dimension_numbers = #tpu.dot_dimension_numbers<[1], [1], [0], [0], [0, 0, 1, 0], [], []>, transpose_lhs_hint = false} : vector<288x2048xbf16>, vector<288x2048xbf16>, vector<288x288xf32> -> vector<288x288xf32>
    %swap3A_110 = arith.constant 0 : index
    %swap3A_111 = arith.constant 0 : index
    %swap3A_112 = vector.load %arg14[%swap3A_110, %swap3A_111] : memref<288x288xf32, #tpu.memory_space<vmem>>, vector<288x288xf32>
    tpu.vector_store %arg14[%swap3A_110, %swap3A_111], %dot_general3A_109 {strides = array<i32>} : memref<288x288xf32, #tpu.memory_space<vmem>>, vector<288x288xf32>,
    %get3A_113 = arith.constant 0 : index
    %get3A_114 = arith.constant 0 : index
    %get3A_115 = vector.load %arg9[%get3A_113, %get3A_114] : memref<7x100xf32, #tpu.memory_space<vmem>>, vector<1x100xf32>
    %get3A_116 = arith.constant 1 : index
    %get3A_117 = arith.constant 0 : index
    %get3A_118 = vector.load %arg9[%get3A_116, %get3A_117] : memref<7x100xf32, #tpu.memory_space<vmem>>, vector<1x100xf32>
    %get3A_119 = arith.constant 2 : index
    %get3A_120 = arith.constant 0 : index
    %get3A_121 = vector.load %arg9[%get3A_119, %get3A_120] : memref<7x100xf32, #tpu.memory_space<vmem>>, vector<1x100xf32>
    %get3A_122 = arith.constant 3 : index
    %get3A_123 = arith.constant 0 : index
    %get3A_124 = vector.load %arg9[%get3A_122, %get3A_123] : memref<7x100xf32, #tpu.memory_space<vmem>>, vector<1x100xf32>
    %get3A_125 = arith.constant 4 : index
    %get3A_126 = arith.constant 0 : index
    %get3A_127 = vector.load %arg9[%get3A_125, %get3A_126] : memref<7x100xf32, #tpu.memory_space<vmem>>, vector<1x100xf32>
    %get3A_128 = arith.constant 5 : index
    %get3A_129 = arith.constant 0 : index
    %get3A_130 = vector.load %arg9[%get3A_128, %get3A_129] : memref<7x100xf32, #tpu.memory_space<vmem>>, vector<1x100xf32>
    %get3A_131 = arith.constant 6 : index
    %get3A_132 = arith.constant 0 : index
    %get3A_133 = vector.load %arg9[%get3A_131, %get3A_132] : memref<7x100xf32, #tpu.memory_space<vmem>>, vector<1x100xf32>
    %get3A_134 = arith.constant 0 : index
    %get3A_135 = memref.load %arg11[%get3A_134] : memref<1xf32, #tpu.memory_space<smem>>
    %get3A_136 = arith.constant 0 : index
    %get3A_137 = arith.constant 0 : index
    %get3A_138 = vector.load %arg14[%get3A_136, %get3A_137] : memref<288x288xf32, #tpu.memory_space<vmem>>, vector<36x36xf32>
    %swap3A_139 = arith.constant 0 : index
    %swap3A_140 = arith.constant 0 : index
    %swap3A_141 = vector.load %arg15[%swap3A_139, %swap3A_140] : memref<36x36xf32, #tpu.memory_space<vmem>>, vector<36x36xf32>
    tpu.vector_store %arg15[%swap3A_139, %swap3A_140], %get3A_138 {strides = array<i32>} : memref<36x36xf32, #tpu.memory_space<vmem>>, vector<36x36xf32>,
    %get3A_142 = arith.constant 0 : index
    %get3A_143 = arith.constant 0 : index
    %get3A_144 = vector.load %arg15[%get3A_142, %get3A_143] : memref<36x36xf32, #tpu.memory_space<vmem>>, vector<36x36xf32>
    %get3A_145 = arith.constant 0 : index
    %get3A_146 = arith.constant 0 : index
    %get3A_147 = arith.constant 0 : index
    %get3A_148 = vector.load %arg2[%get3A_145, %get3A_146, %get3A_147] : memref<8x36x6xf32, #tpu.memory_space<vmem>>, vector<1x36x6xf32>
    %get3A_149 = vector.shape_cast %get3A_148 : vector<1x36x6xf32> to vector<36x6xf32>
    %slice3A = vector.extract_strided_slice %get3A_149 {offsets = [0, 0], sizes = [36, 1], strides = [1, 1]} : vector<36x6xf32> to vector<36x1xf32>
    %slice3A_150 = vector.extract_strided_slice %get3A_149 {offsets = [0, 1], sizes = [36, 1], strides = [1, 1]} : vector<36x6xf32> to vector<36x1xf32>
    %slice3A_151 = vector.extract_strided_slice %get3A_149 {offsets = [0, 2], sizes = [36, 1], strides = [1, 1]} : vector<36x6xf32> to vector<36x1xf32>
    %slice3A_152 = vector.extract_strided_slice %get3A_149 {offsets = [0, 3], sizes = [36, 1], strides = [1, 1]} : vector<36x6xf32> to vector<36x1xf32>
    %sub3A = arith.subf %slice3A_151, %slice3A : vector<36x1xf32>
    %sub3A_153 = arith.subf %slice3A_152, %slice3A_150 : vector<36x1xf32>
    %mul3A_154 = arith.mulf %sub3A, %sub3A_153 : vector<36x1xf32>
    %transpose3A_155 = tpu.transpose %slice3A, [1, 0] : vector<36x1xf32> -> vector<1x36xf32>
    %broadcast_in_dim3A_156 = vector.shape_cast %transpose3A_155 : vector<1x36xf32> to vector<1x36xf32>
    %broadcast_in_dim3A_157 = vector.broadcast %broadcast_in_dim3A_156 : vector<1x36xf32> to vector<36x36xf32>
    %broadcast_in_dim3A_158 = vector.shape_cast %slice3A : vector<36x1xf32> to vector<36x1xf32>
    %broadcast_in_dim3A_159 = vector.broadcast %broadcast_in_dim3A_158 : vector<36x1xf32> to vector<36x36xf32>
    %max3A_160 = arith.maximumf %broadcast_in_dim3A_157, %broadcast_in_dim3A_159 : vector<36x36xf32>
    %transpose3A_161 = tpu.transpose %slice3A_150, [1, 0] : vector<36x1xf32> -> vector<1x36xf32>
    %broadcast_in_dim3A_162 = vector.shape_cast %transpose3A_161 : vector<1x36xf32> to vector<1x36xf32>
    %broadcast_in_dim3A_163 = vector.broadcast %broadcast_in_dim3A_162 : vector<1x36xf32> to vector<36x36xf32>
    %broadcast_in_dim3A_164 = vector.shape_cast %slice3A_150 : vector<36x1xf32> to vector<36x1xf32>
    %broadcast_in_dim3A_165 = vector.broadcast %broadcast_in_dim3A_164 : vector<36x1xf32> to vector<36x36xf32>
    %max3A_166 = arith.maximumf %broadcast_in_dim3A_163, %broadcast_in_dim3A_165 : vector<36x36xf32>
    %transpose3A_167 = tpu.transpose %slice3A_151, [1, 0] : vector<36x1xf32> -> vector<1x36xf32>
    %broadcast_in_dim3A_168 = vector.shape_cast %transpose3A_167 : vector<1x36xf32> to vector<1x36xf32>
    %broadcast_in_dim3A_169 = vector.broadcast %broadcast_in_dim3A_168 : vector<1x36xf32> to vector<36x36xf32>
    %broadcast_in_dim3A_170 = vector.shape_cast %slice3A_151 : vector<36x1xf32> to vector<36x1xf32>
    %broadcast_in_dim3A_171 = vector.broadcast %broadcast_in_dim3A_170 : vector<36x1xf32> to vector<36x36xf32>
    %min3A = arith.minimumf %broadcast_in_dim3A_169, %broadcast_in_dim3A_171 : vector<36x36xf32>
    %transpose3A_172 = tpu.transpose %slice3A_152, [1, 0] : vector<36x1xf32> -> vector<1x36xf32>
    %broadcast_in_dim3A_173 = vector.shape_cast %transpose3A_172 : vector<1x36xf32> to vector<1x36xf32>
    %broadcast_in_dim3A_174 = vector.broadcast %broadcast_in_dim3A_173 : vector<1x36xf32> to vector<36x36xf32>
    %broadcast_in_dim3A_175 = vector.shape_cast %slice3A_152 : vector<36x1xf32> to vector<36x1xf32>
    %broadcast_in_dim3A_176 = vector.broadcast %broadcast_in_dim3A_175 : vector<36x1xf32> to vector<36x36xf32>
    %min3A_177 = arith.minimumf %broadcast_in_dim3A_174, %broadcast_in_dim3A_176 : vector<36x36xf32>
    %sub3A_178 = arith.subf %min3A, %max3A_160 : vector<36x36xf32>
    %max3A_179 = arith.constant 0.000000e+00 : f32
    %max3A_180 = vector.broadcast %max3A_179 : f32 to vector<36x36xf32>
    %max3A_181 = arith.maximumf %max3A_180, %sub3A_178 : vector<36x36xf32>
    %sub3A_182 = arith.subf %min3A_177, %max3A_166 : vector<36x36xf32>
    %max3A_183 = arith.constant 0.000000e+00 : f32
    %max3A_184 = vector.broadcast %max3A_183 : f32 to vector<36x36xf32>
    %max3A_185 = arith.maximumf %max3A_184, %sub3A_182 : vector<36x36xf32>
    %mul3A_186 = arith.mulf %max3A_181, %max3A_185 : vector<36x36xf32>
    %broadcast_in_dim3A_187 = vector.shape_cast %mul3A_154 : vector<36x1xf32> to vector<36x1xf32>
    %broadcast_in_dim3A_188 = vector.broadcast %broadcast_in_dim3A_187 : vector<36x1xf32> to vector<36x36xf32>
    %transpose3A_189 = tpu.transpose %mul3A_154, [1, 0] : vector<36x1xf32> -> vector<1x36xf32>
    %broadcast_in_dim3A_190 = vector.shape_cast %transpose3A_189 : vector<1x36xf32> to vector<1x36xf32>
    %broadcast_in_dim3A_191 = vector.broadcast %broadcast_in_dim3A_190 : vector<1x36xf32> to vector<36x36xf32>
    %add3A_192 = arith.addf %broadcast_in_dim3A_188, %broadcast_in_dim3A_191 : vector<36x36xf32>
    %sub3A_193 = arith.subf %add3A_192, %mul3A_186 : vector<36x36xf32>
    %div3A_194 = arith.divf %mul3A_186, %sub3A_193 : vector<36x36xf32>
    %div3A_195 = arith.divf %mul3A_186, %broadcast_in_dim3A_191 : vector<36x36xf32>
    %div3A_196 = arith.divf %mul3A_186, %broadcast_in_dim3A_188 : vector<36x36xf32>
    %get3A_197 = arith.constant 0 : index
    %get3A_198 = arith.constant 0 : index
    %get3A_199 = vector.load %arg7[%get3A_197, %get3A_198] : memref<100x6xf32, #tpu.memory_space<vmem>>, vector<100x6xf32>
    %dot_general3A_200 = arith.constant dense<0.000000e+00> : vector<36x100xf32>
    %dot_general3A_201 = tpu.matmul %get3A_149, %get3A_199, %dot_general3A_200 {dimension_numbers = #tpu.dot_dimension_numbers<[1], [1], [0], [0], [0, 0, 1, 0], [], []>, transpose_lhs_hint = false} : vector<36x6xf32>, vector<100x6xf32>, vector<36x100xf32> -> vector<36x100xf32>
    %get3A_202 = arith.constant 0 : index
    %get3A_203 = arith.constant 0 : index
    %get3A_204 = vector.load %arg8[%get3A_202, %get3A_203] : memref<100x6xf32, #tpu.memory_space<vmem>>, vector<100x6xf32>
    %dot_general3A_205 = arith.constant dense<0.000000e+00> : vector<36x100xf32>
    %dot_general3A_206 = tpu.matmul %get3A_149, %get3A_204, %dot_general3A_205 {dimension_numbers = #tpu.dot_dimension_numbers<[1], [1], [0], [0], [0, 0, 1, 0], [], []>, transpose_lhs_hint = false} : vector<36x6xf32>, vector<100x6xf32>, vector<36x100xf32> -> vector<36x100xf32>
    %get3A_207 = arith.constant 0 : index
    %get3A_208 = arith.constant 0 : index
    %get3A_209 = vector.load %arg4[%get3A_207, %get3A_208] : memref<8x1xf32, #tpu.memory_space<vmem>>, vector<1x1xf32>
    %mul3A_210 = vector.broadcast %get3A_209 : vector<1x1xf32> to vector<1x100xf32>
    %mul3A_211 = arith.mulf %mul3A_210, %get3A_115 : vector<1x100xf32>
    %add3A_212 = vector.broadcast %mul3A_211 : vector<1x100xf32> to vector<36x100xf32>
    %add3A_213 = arith.addf %dot_general3A_201, %add3A_212 : vector<36x100xf32>
    %add3A_214 = vector.broadcast %get3A_130 : vector<1x100xf32> to vector<36x100xf32>
    %add3A_215 = arith.addf %add3A_213, %add3A_214 : vector<36x100xf32>
    %broadcast_in_dim3A_216 = vector.shape_cast %get3A_144 : vector<36x36xf32> to vector<36x36x1xf32>
    %broadcast_in_dim3A_217 = vector.shape_cast %get3A_118 : vector<1x100xf32> to vector<1x1x100xf32>
    %mul3A_218 = vector.broadcast %broadcast_in_dim3A_216 : vector<36x36x1xf32> to vector<36x36x100xf32>
    %mul3A_219 = vector.broadcast %broadcast_in_dim3A_217 : vector<1x1x100xf32> to vector<36x36x100xf32>
    %mul3A_220 = arith.mulf %mul3A_218, %mul3A_219 : vector<36x36x100xf32>
    %broadcast_in_dim3A_221 = vector.shape_cast %div3A_194 : vector<36x36xf32> to vector<36x36x1xf32>
    %broadcast_in_dim3A_222 = vector.shape_cast %get3A_121 : vector<1x100xf32> to vector<1x1x100xf32>
    %mul3A_223 = vector.broadcast %broadcast_in_dim3A_221 : vector<36x36x1xf32> to vector<36x36x100xf32>
    %mul3A_224 = vector.broadcast %broadcast_in_dim3A_222 : vector<1x1x100xf32> to vector<36x36x100xf32>
    %mul3A_225 = arith.mulf %mul3A_223, %mul3A_224 : vector<36x36x100xf32>
    %add3A_226 = arith.addf %mul3A_220, %mul3A_225 : vector<36x36x100xf32>
    %broadcast_in_dim3A_227 = vector.shape_cast %div3A_195 : vector<36x36xf32> to vector<36x36x1xf32>
    %broadcast_in_dim3A_228 = vector.shape_cast %get3A_124 : vector<1x100xf32> to vector<1x1x100xf32>
    %mul3A_229 = vector.broadcast %broadcast_in_dim3A_227 : vector<36x36x1xf32> to vector<36x36x100xf32>
    %mul3A_230 = vector.broadcast %broadcast_in_dim3A_228 : vector<1x1x100xf32> to vector<36x36x100xf32>
    %mul3A_231 = arith.mulf %mul3A_229, %mul3A_230 : vector<36x36x100xf32>
    %add3A_232 = arith.addf %add3A_226, %mul3A_231 : vector<36x36x100xf32>
    %broadcast_in_dim3A_233 = vector.shape_cast %div3A_196 : vector<36x36xf32> to vector<36x36x1xf32>
    %broadcast_in_dim3A_234 = vector.shape_cast %get3A_127 : vector<1x100xf32> to vector<1x1x100xf32>
    %mul3A_235 = vector.broadcast %broadcast_in_dim3A_233 : vector<36x36x1xf32> to vector<36x36x100xf32>
    %mul3A_236 = vector.broadcast %broadcast_in_dim3A_234 : vector<1x1x100xf32> to vector<36x36x100xf32>
    %mul3A_237 = arith.mulf %mul3A_235, %mul3A_236 : vector<36x36x100xf32>
    %add3A_238 = arith.addf %add3A_232, %mul3A_237 : vector<36x36x100xf32>
    %broadcast_in_dim3A_239 = vector.shape_cast %add3A_215 : vector<36x100xf32> to vector<1x36x100xf32>
    %add3A_240 = vector.broadcast %broadcast_in_dim3A_239 : vector<1x36x100xf32> to vector<36x36x100xf32>
    %add3A_241 = arith.addf %add3A_238, %add3A_240 : vector<36x36x100xf32>
    %broadcast_in_dim3A_242 = vector.shape_cast %dot_general3A_206 : vector<36x100xf32> to vector<36x1x100xf32>
    %add3A_243 = vector.broadcast %broadcast_in_dim3A_242 : vector<36x1x100xf32> to vector<36x36x100xf32>
    %add3A_244 = arith.addf %add3A_241, %add3A_243 : vector<36x36x100xf32>
    %jit3A_245 = arith.constant 0.00999999977 : f32
    %ge3A_246 = arith.constant 0.000000e+00 : f32
    %ge3A_247 = vector.broadcast %ge3A_246 : f32 to vector<36x36x100xf32>
    %ge3A_248 = arith.cmpf oge, %add3A_244, %ge3A_247 : vector<36x36x100xf32>
    %mul3A_249 = vector.broadcast %jit3A_245 : f32 to vector<36x36x100xf32>
    %mul3A_250 = arith.mulf %mul3A_249, %add3A_244 : vector<36x36x100xf32>
    %select_n3A_251 = arith.select %ge3A_248, %add3A_244, %mul3A_250 : vector<36x36x100xi1>, vector<36x36x100xf32>
    %broadcast_in_dim3A_252 = vector.shape_cast %get3A_133 : vector<1x100xf32> to vector<1x1x100xf32>
    %mul3A_253 = vector.broadcast %broadcast_in_dim3A_252 : vector<1x1x100xf32> to vector<36x36x100xf32>
    %mul3A_254 = arith.mulf %select_n3A_251, %mul3A_253 : vector<36x36x100xf32>
    %reduce_sum3A_255 = arith.constant dense<0.000000e+00> : vector<36x36xf32>
    %reduce_sum3A_256 = vector.multi_reduction <add>, %mul3A_254, %reduce_sum3A_255 [2] : vector<36x36x100xf32> to vector<36x36xf32>
    %add3A_257 = vector.broadcast %get3A_135 : f32 to vector<36x36xf32>
    %add3A_258 = arith.addf %reduce_sum3A_256, %add3A_257 : vector<36x36xf32>
    %swap3A_259 = arith.constant 0 : index
    %swap3A_260 = arith.constant 0 : index
    %swap3A_261 = arith.constant 0 : index
    %swap3A_262 = vector.load %arg13[%swap3A_259, %swap3A_260, %swap3A_261] : memref<8x36x36xf32, #tpu.memory_space<vmem>>, vector<1x36x36xf32>
    %swap3A_263 = vector.shape_cast %swap3A_262 : vector<1x36x36xf32> to vector<36x36xf32>
    %swap3A_264 = vector.shape_cast %add3A_258 : vector<36x36xf32> to vector<1x36x36xf32>
    tpu.vector_store %arg13[%swap3A_259, %swap3A_260, %swap3A_261], %swap3A_264 {strides = array<i32>} : memref<8x36x36xf32, #tpu.memory_space<vmem>>, vector<1x36x36xf32>,
    %get3A_265 = arith.constant 36 : index
    %get3A_266 = arith.constant 36 : index
    %get3A_267 = vector.load %arg14[%get3A_265, %get3A_266] : memref<288x288xf32, #tpu.memory_space<vmem>>, vector<36x36xf32>
    %swap3A_268 = arith.constant 0 : index
    %swap3A_269 = arith.constant 0 : index
    %swap3A_270 = vector.load %arg15[%swap3A_268, %swap3A_269] : memref<36x36xf32, #tpu.memory_space<vmem>>, vector<36x36xf32>
    tpu.vector_store %arg15[%swap3A_268, %swap3A_269], %get3A_267 {strides = array<i32>} : memref<36x36xf32, #tpu.memory_space<vmem>>, vector<36x36xf32>,
    %get3A_271 = arith.constant 0 : index
    %get3A_272 = arith.constant 0 : index
    %get3A_273 = vector.load %arg15[%get3A_271, %get3A_272] : memref<36x36xf32, #tpu.memory_space<vmem>>, vector<36x36xf32>
    %get3A_274 = arith.constant 1 : index
    %get3A_275 = arith.constant 0 : index
    %get3A_276 = arith.constant 0 : index
    %get3A_277 = vector.load %arg2[%get3A_274, %get3A_275, %get3A_276] : memref<8x36x6xf32, #tpu.memory_space<vmem>>, vector<1x36x6xf32>
    %get3A_278 = vector.shape_cast %get3A_277 : vector<1x36x6xf32> to vector<36x6xf32>
    %slice3A_279 = vector.extract_strided_slice %get3A_278 {offsets = [0, 0], sizes = [36, 1], strides = [1, 1]} : vector<36x6xf32> to vector<36x1xf32>
    %slice3A_280 = vector.extract_strided_slice %get3A_278 {offsets = [0, 1], sizes = [36, 1], strides = [1, 1]} : vector<36x6xf32> to vector<36x1xf32>
    %slice3A_281 = vector.extract_strided_slice %get3A_278 {offsets = [0, 2], sizes = [36, 1], strides = [1, 1]} : vector<36x6xf32> to vector<36x1xf32>
    %slice3A_282 = vector.extract_strided_slice %get3A_278 {offsets = [0, 3], sizes = [36, 1], strides = [1, 1]} : vector<36x6xf32> to vector<36x1xf32>
    %sub3A_283 = arith.subf %slice3A_281, %slice3A_279 : vector<36x1xf32>
    %sub3A_284 = arith.subf %slice3A_282, %slice3A_280 : vector<36x1xf32>
    %mul3A_285 = arith.mulf %sub3A_283, %sub3A_284 : vector<36x1xf32>
    %transpose3A_286 = tpu.transpose %slice3A_279, [1, 0] : vector<36x1xf32> -> vector<1x36xf32>
    %broadcast_in_dim3A_287 = vector.shape_cast %transpose3A_286 : vector<1x36xf32> to vector<1x36xf32>
    %broadcast_in_dim3A_288 = vector.broadcast %broadcast_in_dim3A_287 : vector<1x36xf32> to vector<36x36xf32>
    %broadcast_in_dim3A_289 = vector.shape_cast %slice3A_279 : vector<36x1xf32> to vector<36x1xf32>
    %broadcast_in_dim3A_290 = vector.broadcast %broadcast_in_dim3A_289 : vector<36x1xf32> to vector<36x36xf32>
    %max3A_291 = arith.maximumf %broadcast_in_dim3A_288, %broadcast_in_dim3A_290 : vector<36x36xf32>
    %transpose3A_292 = tpu.transpose %slice3A_280, [1, 0] : vector<36x1xf32> -> vector<1x36xf32>
    %broadcast_in_dim3A_293 = vector.shape_cast %transpose3A_292 : vector<1x36xf32> to vector<1x36xf32>
    %broadcast_in_dim3A_294 = vector.broadcast %broadcast_in_dim3A_293 : vector<1x36xf32> to vector<36x36xf32>
    %broadcast_in_dim3A_295 = vector.shape_cast %slice3A_280 : vector<36x1xf32> to vector<36x1xf32>
    %broadcast_in_dim3A_296 = vector.broadcast %broadcast_in_dim3A_295 : vector<36x1xf32> to vector<36x36xf32>
    %max3A_297 = arith.maximumf %broadcast_in_dim3A_294, %broadcast_in_dim3A_296 : vector<36x36xf32>
    %transpose3A_298 = tpu.transpose %slice3A_281, [1, 0] : vector<36x1xf32> -> vector<1x36xf32>
    %broadcast_in_dim3A_299 = vector.shape_cast %transpose3A_298 : vector<1x36xf32> to vector<1x36xf32>
    %broadcast_in_dim3A_300 = vector.broadcast %broadcast_in_dim3A_299 : vector<1x36xf32> to vector<36x36xf32>
    %broadcast_in_dim3A_301 = vector.shape_cast %slice3A_281 : vector<36x1xf32> to vector<36x1xf32>
    %broadcast_in_dim3A_302 = vector.broadcast %broadcast_in_dim3A_301 : vector<36x1xf32> to vector<36x36xf32>
    %min3A_303 = arith.minimumf %broadcast_in_dim3A_300, %broadcast_in_dim3A_302 : vector<36x36xf32>
    %transpose3A_304 = tpu.transpose %slice3A_282, [1, 0] : vector<36x1xf32> -> vector<1x36xf32>
    %broadcast_in_dim3A_305 = vector.shape_cast %transpose3A_304 : vector<1x36xf32> to vector<1x36xf32>
    %broadcast_in_dim3A_306 = vector.broadcast %broadcast_in_dim3A_305 : vector<1x36xf32> to vector<36x36xf32>
    %broadcast_in_dim3A_307 = vector.shape_cast %slice3A_282 : vector<36x1xf32> to vector<36x1xf32>
    %broadcast_in_dim3A_308 = vector.broadcast %broadcast_in_dim3A_307 : vector<36x1xf32> to vector<36x36xf32>
    %min3A_309 = arith.minimumf %broadcast_in_dim3A_306, %broadcast_in_dim3A_308 : vector<36x36xf32>
    %sub3A_310 = arith.subf %min3A_303, %max3A_291 : vector<36x36xf32>
    %max3A_311 = arith.constant 0.000000e+00 : f32
    %max3A_312 = vector.broadcast %max3A_311 : f32 to vector<36x36xf32>
    %max3A_313 = arith.maximumf %max3A_312, %sub3A_310 : vector<36x36xf32>
    %sub3A_314 = arith.subf %min3A_309, %max3A_297 : vector<36x36xf32>
    %max3A_315 = arith.constant 0.000000e+00 : f32
    %max3A_316 = vector.broadcast %max3A_315 : f32 to vector<36x36xf32>
    %max3A_317 = arith.maximumf %max3A_316, %sub3A_314 : vector<36x36xf32>
    %mul3A_318 = arith.mulf %max3A_313, %max3A_317 : vector<36x36xf32>
    %broadcast_in_dim3A_319 = vector.shape_cast %mul3A_285 : vector<36x1xf32> to vector<36x1xf32>
    %broadcast_in_dim3A_320 = vector.broadcast %broadcast_in_dim3A_319 : vector<36x1xf32> to vector<36x36xf32>
    %transpose3A_321 = tpu.transpose %mul3A_285, [1, 0] : vector<36x1xf32> -> vector<1x36xf32>
    %broadcast_in_dim3A_322 = vector.shape_cast %transpose3A_321 : vector<1x36xf32> to vector<1x36xf32>
    %broadcast_in_dim3A_323 = vector.broadcast %broadcast_in_dim3A_322 : vector<1x36xf32> to vector<36x36xf32>
    %add3A_324 = arith.addf %broadcast_in_dim3A_320, %broadcast_in_dim3A_323 : vector<36x36xf32>
    %sub3A_325 = arith.subf %add3A_324, %mul3A_318 : vector<36x36xf32>
    %div3A_326 = arith.divf %mul3A_318, %sub3A_325 : vector<36x36xf32>
    %div3A_327 = arith.divf %mul3A_318, %broadcast_in_dim3A_323 : vector<36x36xf32>
    %div3A_328 = arith.divf %mul3A_318, %broadcast_in_dim3A_320 : vector<36x36xf32>
    %get3A_329 = arith.constant 0 : index
    %get3A_330 = arith.constant 0 : index
    %get3A_331 = vector.load %arg7[%get3A_329, %get3A_330] : memref<100x6xf32, #tpu.memory_space<vmem>>, vector<100x6xf32>
    %dot_general3A_332 = arith.constant dense<0.000000e+00> : vector<36x100xf32>
    %dot_general3A_333 = tpu.matmul %get3A_278, %get3A_331, %dot_general3A_332 {dimension_numbers = #tpu.dot_dimension_numbers<[1], [1], [0], [0], [0, 0, 1, 0], [], []>, transpose_lhs_hint = false} : vector<36x6xf32>, vector<100x6xf32>, vector<36x100xf32> -> vector<36x100xf32>
    %get3A_334 = arith.constant 0 : index
    %get3A_335 = arith.constant 0 : index
    %get3A_336 = vector.load %arg8[%get3A_334, %get3A_335] : memref<100x6xf32, #tpu.memory_space<vmem>>, vector<100x6xf32>
    %dot_general3A_337 = arith.constant dense<0.000000e+00> : vector<36x100xf32>
    %dot_general3A_338 = tpu.matmul %get3A_278, %get3A_336, %dot_general3A_337 {dimension_numbers = #tpu.dot_dimension_numbers<[1], [1], [0], [0], [0, 0, 1, 0], [], []>, transpose_lhs_hint = false} : vector<36x6xf32>, vector<100x6xf32>, vector<36x100xf32> -> vector<36x100xf32>
    %get3A_339 = arith.constant 1 : index
    %get3A_340 = arith.constant 0 : index
    %get3A_341 = vector.load %arg4[%get3A_339, %get3A_340] : memref<8x1xf32, #tpu.memory_space<vmem>>, vector<1x1xf32>
    %mul3A_342 = vector.broadcast %get3A_341 : vector<1x1xf32> to vector<1x100xf32>
    %mul3A_343 = arith.mulf %mul3A_342, %get3A_115 : vector<1x100xf32>
    %add3A_344 = vector.broadcast %mul3A_343 : vector<1x100xf32> to vector<36x100xf32>
    %add3A_345 = arith.addf %dot_general3A_333, %add3A_344 : vector<36x100xf32>
    %add3A_346 = vector.broadcast %get3A_130 : vector<1x100xf32> to vector<36x100xf32>
    %add3A_347 = arith.addf %add3A_345, %add3A_346 : vector<36x100xf32>
    %broadcast_in_dim3A_348 = vector.shape_cast %get3A_273 : vector<36x36xf32> to vector<36x36x1xf32>
    %broadcast_in_dim3A_349 = vector.shape_cast %get3A_118 : vector<1x100xf32> to vector<1x1x100xf32>
    %mul3A_350 = vector.broadcast %broadcast_in_dim3A_348 : vector<36x36x1xf32> to vector<36x36x100xf32>
    %mul3A_351 = vector.broadcast %broadcast_in_dim3A_349 : vector<1x1x100xf32> to vector<36x36x100xf32>
    %mul3A_352 = arith.mulf %mul3A_350, %mul3A_351 : vector<36x36x100xf32>
    %broadcast_in_dim3A_353 = vector.shape_cast %div3A_326 : vector<36x36xf32> to vector<36x36x1xf32>
    %broadcast_in_dim3A_354 = vector.shape_cast %get3A_121 : vector<1x100xf32> to vector<1x1x100xf32>
    %mul3A_355 = vector.broadcast %broadcast_in_dim3A_353 : vector<36x36x1xf32> to vector<36x36x100xf32>
    %mul3A_356 = vector.broadcast %broadcast_in_dim3A_354 : vector<1x1x100xf32> to vector<36x36x100xf32>
    %mul3A_357 = arith.mulf %mul3A_355, %mul3A_356 : vector<36x36x100xf32>
    %add3A_358 = arith.addf %mul3A_352, %mul3A_357 : vector<36x36x100xf32>
    %broadcast_in_dim3A_359 = vector.shape_cast %div3A_327 : vector<36x36xf32> to vector<36x36x1xf32>
    %broadcast_in_dim3A_360 = vector.shape_cast %get3A_124 : vector<1x100xf32> to vector<1x1x100xf32>
    %mul3A_361 = vector.broadcast %broadcast_in_dim3A_359 : vector<36x36x1xf32> to vector<36x36x100xf32>
    %mul3A_362 = vector.broadcast %broadcast_in_dim3A_360 : vector<1x1x100xf32> to vector<36x36x100xf32>
    %mul3A_363 = arith.mulf %mul3A_361, %mul3A_362 : vector<36x36x100xf32>
    %add3A_364 = arith.addf %add3A_358, %mul3A_363 : vector<36x36x100xf32>
    %broadcast_in_dim3A_365 = vector.shape_cast %div3A_328 : vector<36x36xf32> to vector<36x36x1xf32>
    %broadcast_in_dim3A_366 = vector.shape_cast %get3A_127 : vector<1x100xf32> to vector<1x1x100xf32>
    %mul3A_367 = vector.broadcast %broadcast_in_dim3A_365 : vector<36x36x1xf32> to vector<36x36x100xf32>
    %mul3A_368 = vector.broadcast %broadcast_in_dim3A_366 : vector<1x1x100xf32> to vector<36x36x100xf32>
    %mul3A_369 = arith.mulf %mul3A_367, %mul3A_368 : vector<36x36x100xf32>
    %add3A_370 = arith.addf %add3A_364, %mul3A_369 : vector<36x36x100xf32>
    %broadcast_in_dim3A_371 = vector.shape_cast %add3A_347 : vector<36x100xf32> to vector<1x36x100xf32>
    %add3A_372 = vector.broadcast %broadcast_in_dim3A_371 : vector<1x36x100xf32> to vector<36x36x100xf32>
    %add3A_373 = arith.addf %add3A_370, %add3A_372 : vector<36x36x100xf32>
    %broadcast_in_dim3A_374 = vector.shape_cast %dot_general3A_338 : vector<36x100xf32> to vector<36x1x100xf32>
    %add3A_375 = vector.broadcast %broadcast_in_dim3A_374 : vector<36x1x100xf32> to vector<36x36x100xf32>
    %add3A_376 = arith.addf %add3A_373, %add3A_375 : vector<36x36x100xf32>
    %jit3A_377 = arith.constant 0.00999999977 : f32
    %ge3A_378 = arith.constant 0.000000e+00 : f32
    %ge3A_379 = vector.broadcast %ge3A_378 : f32 to vector<36x36x100xf32>
    %ge3A_380 = arith.cmpf oge, %add3A_376, %ge3A_379 : vector<36x36x100xf32>
    %mul3A_381 = vector.broadcast %jit3A_377 : f32 to vector<36x36x100xf32>
    %mul3A_382 = arith.mulf %mul3A_381, %add3A_376 : vector<36x36x100xf32>
    %select_n3A_383 = arith.select %ge3A_380, %add3A_376, %mul3A_382 : vector<36x36x100xi1>, vector<36x36x100xf32>
    %broadcast_in_dim3A_384 = vector.shape_cast %get3A_133 : vector<1x100xf32> to vector<1x1x100xf32>
    %mul3A_385 = vector.broadcast %broadcast_in_dim3A_384 : vector<1x1x100xf32> to vector<36x36x100xf32>
    %mul3A_386 = arith.mulf %select_n3A_383, %mul3A_385 : vector<36x36x100xf32>
    %reduce_sum3A_387 = arith.constant dense<0.000000e+00> : vector<36x36xf32>
    %reduce_sum3A_388 = vector.multi_reduction <add>, %mul3A_386, %reduce_sum3A_387 [2] : vector<36x36x100xf32> to vector<36x36xf32>
    %add3A_389 = vector.broadcast %get3A_135 : f32 to vector<36x36xf32>
    %add3A_390 = arith.addf %reduce_sum3A_388, %add3A_389 : vector<36x36xf32>
    %swap3A_391 = arith.constant 1 : index
    %swap3A_392 = arith.constant 0 : index
    %swap3A_393 = arith.constant 0 : index
    %swap3A_394 = vector.load %arg13[%swap3A_391, %swap3A_392, %swap3A_393] : memref<8x36x36xf32, #tpu.memory_space<vmem>>, vector<1x36x36xf32>
    %swap3A_395 = vector.shape_cast %swap3A_394 : vector<1x36x36xf32> to vector<36x36xf32>
    %swap3A_396 = vector.shape_cast %add3A_390 : vector<36x36xf32> to vector<1x36x36xf32>
    tpu.vector_store %arg13[%swap3A_391, %swap3A_392, %swap3A_393], %swap3A_396 {strides = array<i32>} : memref<8x36x36xf32, #tpu.memory_space<vmem>>, vector<1x36x36xf32>,
    %get3A_397 = arith.constant 72 : index
    %get3A_398 = arith.constant 72 : index
    %get3A_399 = vector.load %arg14[%get3A_397, %get3A_398] : memref<288x288xf32, #tpu.memory_space<vmem>>, vector<36x36xf32>
    %swap3A_400 = arith.constant 0 : index
    %swap3A_401 = arith.constant 0 : index
    %swap3A_402 = vector.load %arg15[%swap3A_400, %swap3A_401] : memref<36x36xf32, #tpu.memory_space<vmem>>, vector<36x36xf32>
    tpu.vector_store %arg15[%swap3A_400, %swap3A_401], %get3A_399 {strides = array<i32>} : memref<36x36xf32, #tpu.memory_space<vmem>>, vector<36x36xf32>,
    %get3A_403 = arith.constant 0 : index
    %get3A_404 = arith.constant 0 : index
    %get3A_405 = vector.load %arg15[%get3A_403, %get3A_404] : memref<36x36xf32, #tpu.memory_space<vmem>>, vector<36x36xf32>
    %get3A_406 = arith.constant 2 : index
    %get3A_407 = arith.constant 0 : index
    %get3A_408 = arith.constant 0 : index
    %get3A_409 = vector.load %arg2[%get3A_406, %get3A_407, %get3A_408] : memref<8x36x6xf32, #tpu.memory_space<vmem>>, vector<1x36x6xf32>
    %get3A_410 = vector.shape_cast %get3A_409 : vector<1x36x6xf32> to vector<36x6xf32>
    %slice3A_411 = vector.extract_strided_slice %get3A_410 {offsets = [0, 0], sizes = [36, 1], strides = [1, 1]} : vector<36x6xf32> to vector<36x1xf32>
    %slice3A_412 = vector.extract_strided_slice %get3A_410 {offsets = [0, 1], sizes = [36, 1], strides = [1, 1]} : vector<36x6xf32> to vector<36x1xf32>
    %slice3A_413 = vector.extract_strided_slice %get3A_410 {offsets = [0, 2], sizes = [36, 1], strides = [1, 1]} : vector<36x6xf32> to vector<36x1xf32>
    %slice3A_414 = vector.extract_strided_slice %get3A_410 {offsets = [0, 3], sizes = [36, 1], strides = [1, 1]} : vector<36x6xf32> to vector<36x1xf32>
    %sub3A_415 = arith.subf %slice3A_413, %slice3A_411 : vector<36x1xf32>
    %sub3A_416 = arith.subf %slice3A_414, %slice3A_412 : vector<36x1xf32>
    %mul3A_417 = arith.mulf %sub3A_415, %sub3A_416 : vector<36x1xf32>
    %transpose3A_418 = tpu.transpose %slice3A_411, [1, 0] : vector<36x1xf32> -> vector<1x36xf32>
    %broadcast_in_dim3A_419 = vector.shape_cast %transpose3A_418 : vector<1x36xf32> to vector<1x36xf32>
    %broadcast_in_dim3A_420 = vector.broadcast %broadcast_in_dim3A_419 : vector<1x36xf32> to vector<36x36xf32>
    %broadcast_in_dim3A_421 = vector.shape_cast %slice3A_411 : vector<36x1xf32> to vector<36x1xf32>
    %broadcast_in_dim3A_422 = vector.broadcast %broadcast_in_dim3A_421 : vector<36x1xf32> to vector<36x36xf32>
    %max3A_423 = arith.maximumf %broadcast_in_dim3A_420, %broadcast_in_dim3A_422 : vector<36x36xf32>
    %transpose3A_424 = tpu.transpose %slice3A_412, [1, 0] : vector<36x1xf32> -> vector<1x36xf32>
    %broadcast_in_dim3A_425 = vector.shape_cast %transpose3A_424 : vector<1x36xf32> to vector<1x36xf32>
    %broadcast_in_dim3A_426 = vector.broadcast %broadcast_in_dim3A_425 : vector<1x36xf32> to vector<36x36xf32>
    %broadcast_in_dim3A_427 = vector.shape_cast %slice3A_412 : vector<36x1xf32> to vector<36x1xf32>
    %broadcast_in_dim3A_428 = vector.broadcast %broadcast_in_dim3A_427 : vector<36x1xf32> to vector<36x36xf32>
    %max3A_429 = arith.maximumf %broadcast_in_dim3A_426, %broadcast_in_dim3A_428 : vector<36x36xf32>
    %transpose3A_430 = tpu.transpose %slice3A_413, [1, 0] : vector<36x1xf32> -> vector<1x36xf32>
    %broadcast_in_dim3A_431 = vector.shape_cast %transpose3A_430 : vector<1x36xf32> to vector<1x36xf32>
    %broadcast_in_dim3A_432 = vector.broadcast %broadcast_in_dim3A_431 : vector<1x36xf32> to vector<36x36xf32>
    %broadcast_in_dim3A_433 = vector.shape_cast %slice3A_413 : vector<36x1xf32> to vector<36x1xf32>
    %broadcast_in_dim3A_434 = vector.broadcast %broadcast_in_dim3A_433 : vector<36x1xf32> to vector<36x36xf32>
    %min3A_435 = arith.minimumf %broadcast_in_dim3A_432, %broadcast_in_dim3A_434 : vector<36x36xf32>
    %transpose3A_436 = tpu.transpose %slice3A_414, [1, 0] : vector<36x1xf32> -> vector<1x36xf32>
    %broadcast_in_dim3A_437 = vector.shape_cast %transpose3A_436 : vector<1x36xf32> to vector<1x36xf32>
    %broadcast_in_dim3A_438 = vector.broadcast %broadcast_in_dim3A_437 : vector<1x36xf32> to vector<36x36xf32>
    %broadcast_in_dim3A_439 = vector.shape_cast %slice3A_414 : vector<36x1xf32> to vector<36x1xf32>
    %broadcast_in_dim3A_440 = vector.broadcast %broadcast_in_dim3A_439 : vector<36x1xf32> to vector<36x36xf32>
    %min3A_441 = arith.minimumf %broadcast_in_dim3A_438, %broadcast_in_dim3A_440 : vector<36x36xf32>
    %sub3A_442 = arith.subf %min3A_435, %max3A_423 : vector<36x36xf32>
    %max3A_443 = arith.constant 0.000000e+00 : f32
    %max3A_444 = vector.broadcast %max3A_443 : f32 to vector<36x36xf32>
    %max3A_445 = arith.maximumf %max3A_444, %sub3A_442 : vector<36x36xf32>
    %sub3A_446 = arith.subf %min3A_441, %max3A_429 : vector<36x36xf32>
    %max3A_447 = arith.constant 0.000000e+00 : f32
    %max3A_448 = vector.broadcast %max3A_447 : f32 to vector<36x36xf32>
    %max3A_449 = arith.maximumf %max3A_448, %sub3A_446 : vector<36x36xf32>
    %mul3A_450 = arith.mulf %max3A_445, %max3A_449 : vector<36x36xf32>
    %broadcast_in_dim3A_451 = vector.shape_cast %mul3A_417 : vector<36x1xf32> to vector<36x1xf32>
    %broadcast_in_dim3A_452 = vector.broadcast %broadcast_in_dim3A_451 : vector<36x1xf32> to vector<36x36xf32>
    %transpose3A_453 = tpu.transpose %mul3A_417, [1, 0] : vector<36x1xf32> -> vector<1x36xf32>
    %broadcast_in_dim3A_454 = vector.shape_cast %transpose3A_453 : vector<1x36xf32> to vector<1x36xf32>
    %broadcast_in_dim3A_455 = vector.broadcast %broadcast_in_dim3A_454 : vector<1x36xf32> to vector<36x36xf32>
    %add3A_456 = arith.addf %broadcast_in_dim3A_452, %broadcast_in_dim3A_455 : vector<36x36xf32>
    %sub3A_457 = arith.subf %add3A_456, %mul3A_450 : vector<36x36xf32>
    %div3A_458 = arith.divf %mul3A_450, %sub3A_457 : vector<36x36xf32>
    %div3A_459 = arith.divf %mul3A_450, %broadcast_in_dim3A_455 : vector<36x36xf32>
    %div3A_460 = arith.divf %mul3A_450, %broadcast_in_dim3A_452 : vector<36x36xf32>
    %get3A_461 = arith.constant 0 : index
    %get3A_462 = arith.constant 0 : index
    %get3A_463 = vector.load %arg7[%get3A_461, %get3A_462] : memref<100x6xf32, #tpu.memory_space<vmem>>, vector<100x6xf32>
    %dot_general3A_464 = arith.constant dense<0.000000e+00> : vector<36x100xf32>
    %dot_general3A_465 = tpu.matmul %get3A_410, %get3A_463, %dot_general3A_464 {dimension_numbers = #tpu.dot_dimension_numbers<[1], [1], [0], [0], [0, 0, 1, 0], [], []>, transpose_lhs_hint = false} : vector<36x6xf32>, vector<100x6xf32>, vector<36x100xf32> -> vector<36x100xf32>
    %get3A_466 = arith.constant 0 : index
    %get3A_467 = arith.constant 0 : index
    %get3A_468 = vector.load %arg8[%get3A_466, %get3A_467] : memref<100x6xf32, #tpu.memory_space<vmem>>, vector<100x6xf32>
    %dot_general3A_469 = arith.constant dense<0.000000e+00> : vector<36x100xf32>
    %dot_general3A_470 = tpu.matmul %get3A_410, %get3A_468, %dot_general3A_469 {dimension_numbers = #tpu.dot_dimension_numbers<[1], [1], [0], [0], [0, 0, 1, 0], [], []>, transpose_lhs_hint = false} : vector<36x6xf32>, vector<100x6xf32>, vector<36x100xf32> -> vector<36x100xf32>
    %get3A_471 = arith.constant 2 : index
    %get3A_472 = arith.constant 0 : index
    %get3A_473 = vector.load %arg4[%get3A_471, %get3A_472] : memref<8x1xf32, #tpu.memory_space<vmem>>, vector<1x1xf32>
    %mul3A_474 = vector.broadcast %get3A_473 : vector<1x1xf32> to vector<1x100xf32>
    %mul3A_475 = arith.mulf %mul3A_474, %get3A_115 : vector<1x100xf32>
    %add3A_476 = vector.broadcast %mul3A_475 : vector<1x100xf32> to vector<36x100xf32>
    %add3A_477 = arith.addf %dot_general3A_465, %add3A_476 : vector<36x100xf32>
    %add3A_478 = vector.broadcast %get3A_130 : vector<1x100xf32> to vector<36x100xf32>
    %add3A_479 = arith.addf %add3A_477, %add3A_478 : vector<36x100xf32>
    %broadcast_in_dim3A_480 = vector.shape_cast %get3A_405 : vector<36x36xf32> to vector<36x36x1xf32>
    %broadcast_in_dim3A_481 = vector.shape_cast %get3A_118 : vector<1x100xf32> to vector<1x1x100xf32>
    %mul3A_482 = vector.broadcast %broadcast_in_dim3A_480 : vector<36x36x1xf32> to vector<36x36x100xf32>
    %mul3A_483 = vector.broadcast %broadcast_in_dim3A_481 : vector<1x1x100xf32> to vector<36x36x100xf32>
    %mul3A_484 = arith.mulf %mul3A_482, %mul3A_483 : vector<36x36x100xf32>
    %broadcast_in_dim3A_485 = vector.shape_cast %div3A_458 : vector<36x36xf32> to vector<36x36x1xf32>
    %broadcast_in_dim3A_486 = vector.shape_cast %get3A_121 : vector<1x100xf32> to vector<1x1x100xf32>
    %mul3A_487 = vector.broadcast %broadcast_in_dim3A_485 : vector<36x36x1xf32> to vector<36x36x100xf32>
    %mul3A_488 = vector.broadcast %broadcast_in_dim3A_486 : vector<1x1x100xf32> to vector<36x36x100xf32>
    %mul3A_489 = arith.mulf %mul3A_487, %mul3A_488 : vector<36x36x100xf32>
    %add3A_490 = arith.addf %mul3A_484, %mul3A_489 : vector<36x36x100xf32>
    %broadcast_in_dim3A_491 = vector.shape_cast %div3A_459 : vector<36x36xf32> to vector<36x36x1xf32>
    %broadcast_in_dim3A_492 = vector.shape_cast %get3A_124 : vector<1x100xf32> to vector<1x1x100xf32>
    %mul3A_493 = vector.broadcast %broadcast_in_dim3A_491 : vector<36x36x1xf32> to vector<36x36x100xf32>
    %mul3A_494 = vector.broadcast %broadcast_in_dim3A_492 : vector<1x1x100xf32> to vector<36x36x100xf32>
    %mul3A_495 = arith.mulf %mul3A_493, %mul3A_494 : vector<36x36x100xf32>
    %add3A_496 = arith.addf %add3A_490, %mul3A_495 : vector<36x36x100xf32>
    %broadcast_in_dim3A_497 = vector.shape_cast %div3A_460 : vector<36x36xf32> to vector<36x36x1xf32>
    %broadcast_in_dim3A_498 = vector.shape_cast %get3A_127 : vector<1x100xf32> to vector<1x1x100xf32>
    %mul3A_499 = vector.broadcast %broadcast_in_dim3A_497 : vector<36x36x1xf32> to vector<36x36x100xf32>
    %mul3A_500 = vector.broadcast %broadcast_in_dim3A_498 : vector<1x1x100xf32> to vector<36x36x100xf32>
    %mul3A_501 = arith.mulf %mul3A_499, %mul3A_500 : vector<36x36x100xf32>
    %add3A_502 = arith.addf %add3A_496, %mul3A_501 : vector<36x36x100xf32>
    %broadcast_in_dim3A_503 = vector.shape_cast %add3A_479 : vector<36x100xf32> to vector<1x36x100xf32>
    %add3A_504 = vector.broadcast %broadcast_in_dim3A_503 : vector<1x36x100xf32> to vector<36x36x100xf32>
    %add3A_505 = arith.addf %add3A_502, %add3A_504 : vector<36x36x100xf32>
    %broadcast_in_dim3A_506 = vector.shape_cast %dot_general3A_470 : vector<36x100xf32> to vector<36x1x100xf32>
    %add3A_507 = vector.broadcast %broadcast_in_dim3A_506 : vector<36x1x100xf32> to vector<36x36x100xf32>
    %add3A_508 = arith.addf %add3A_505, %add3A_507 : vector<36x36x100xf32>
    %jit3A_509 = arith.constant 0.00999999977 : f32
    %ge3A_510 = arith.constant 0.000000e+00 : f32
    %ge3A_511 = vector.broadcast %ge3A_510 : f32 to vector<36x36x100xf32>
    %ge3A_512 = arith.cmpf oge, %add3A_508, %ge3A_511 : vector<36x36x100xf32>
    %mul3A_513 = vector.broadcast %jit3A_509 : f32 to vector<36x36x100xf32>
    %mul3A_514 = arith.mulf %mul3A_513, %add3A_508 : vector<36x36x100xf32>
    %select_n3A_515 = arith.select %ge3A_512, %add3A_508, %mul3A_514 : vector<36x36x100xi1>, vector<36x36x100xf32>
    %broadcast_in_dim3A_516 = vector.shape_cast %get3A_133 : vector<1x100xf32> to vector<1x1x100xf32>
    %mul3A_517 = vector.broadcast %broadcast_in_dim3A_516 : vector<1x1x100xf32> to vector<36x36x100xf32>
    %mul3A_518 = arith.mulf %select_n3A_515, %mul3A_517 : vector<36x36x100xf32>
    %reduce_sum3A_519 = arith.constant dense<0.000000e+00> : vector<36x36xf32>
    %reduce_sum3A_520 = vector.multi_reduction <add>, %mul3A_518, %reduce_sum3A_519 [2] : vector<36x36x100xf32> to vector<36x36xf32>
    %add3A_521 = vector.broadcast %get3A_135 : f32 to vector<36x36xf32>
    %add3A_522 = arith.addf %reduce_sum3A_520, %add3A_521 : vector<36x36xf32>
    %swap3A_523 = arith.constant 2 : index
    %swap3A_524 = arith.constant 0 : index
    %swap3A_525 = arith.constant 0 : index
    %swap3A_526 = vector.load %arg13[%swap3A_523, %swap3A_524, %swap3A_525] : memref<8x36x36xf32, #tpu.memory_space<vmem>>, vector<1x36x36xf32>
    %swap3A_527 = vector.shape_cast %swap3A_526 : vector<1x36x36xf32> to vector<36x36xf32>
    %swap3A_528 = vector.shape_cast %add3A_522 : vector<36x36xf32> to vector<1x36x36xf32>
    tpu.vector_store %arg13[%swap3A_523, %swap3A_524, %swap3A_525], %swap3A_528 {strides = array<i32>} : memref<8x36x36xf32, #tpu.memory_space<vmem>>, vector<1x36x36xf32>,
    %get3A_529 = arith.constant 108 : index
    %get3A_530 = arith.constant 108 : index
    %get3A_531 = vector.load %arg14[%get3A_529, %get3A_530] : memref<288x288xf32, #tpu.memory_space<vmem>>, vector<36x36xf32>
    %swap3A_532 = arith.constant 0 : index
    %swap3A_533 = arith.constant 0 : index
    %swap3A_534 = vector.load %arg15[%swap3A_532, %swap3A_533] : memref<36x36xf32, #tpu.memory_space<vmem>>, vector<36x36xf32>
    tpu.vector_store %arg15[%swap3A_532, %swap3A_533], %get3A_531 {strides = array<i32>} : memref<36x36xf32, #tpu.memory_space<vmem>>, vector<36x36xf32>,
    %get3A_535 = arith.constant 0 : index
    %get3A_536 = arith.constant 0 : index
    %get3A_537 = vector.load %arg15[%get3A_535, %get3A_536] : memref<36x36xf32, #tpu.memory_space<vmem>>, vector<36x36xf32>
    %get3A_538 = arith.constant 3 : index
    %get3A_539 = arith.constant 0 : index
    %get3A_540 = arith.constant 0 : index
    %get3A_541 = vector.load %arg2[%get3A_538, %get3A_539, %get3A_540] : memref<8x36x6xf32, #tpu.memory_space<vmem>>, vector<1x36x6xf32>
    %get3A_542 = vector.shape_cast %get3A_541 : vector<1x36x6xf32> to vector<36x6xf32>
    %slice3A_543 = vector.extract_strided_slice %get3A_542 {offsets = [0, 0], sizes = [36, 1], strides = [1, 1]} : vector<36x6xf32> to vector<36x1xf32>
    %slice3A_544 = vector.extract_strided_slice %get3A_542 {offsets = [0, 1], sizes = [36, 1], strides = [1, 1]} : vector<36x6xf32> to vector<36x1xf32>
    %slice3A_545 = vector.extract_strided_slice %get3A_542 {offsets = [0, 2], sizes = [36, 1], strides = [1, 1]} : vector<36x6xf32> to vector<36x1xf32>
    %slice3A_546 = vector.extract_strided_slice %get3A_542 {offsets = [0, 3], sizes = [36, 1], strides = [1, 1]} : vector<36x6xf32> to vector<36x1xf32>
    %sub3A_547 = arith.subf %slice3A_545, %slice3A_543 : vector<36x1xf32>
    %sub3A_548 = arith.subf %slice3A_546, %slice3A_544 : vector<36x1xf32>
    %mul3A_549 = arith.mulf %sub3A_547, %sub3A_548 : vector<36x1xf32>
    %transpose3A_550 = tpu.transpose %slice3A_543, [1, 0] : vector<36x1xf32> -> vector<1x36xf32>
    %broadcast_in_dim3A_551 = vector.shape_cast %transpose3A_550 : vector<1x36xf32> to vector<1x36xf32>
    %broadcast_in_dim3A_552 = vector.broadcast %broadcast_in_dim3A_551 : vector<1x36xf32> to vector<36x36xf32>
    %broadcast_in_dim3A_553 = vector.shape_cast %slice3A_543 : vector<36x1xf32> to vector<36x1xf32>
    %broadcast_in_dim3A_554 = vector.broadcast %broadcast_in_dim3A_553 : vector<36x1xf32> to vector<36x36xf32>
    %max3A_555 = arith.maximumf %broadcast_in_dim3A_552, %broadcast_in_dim3A_554 : vector<36x36xf32>
    %transpose3A_556 = tpu.transpose %slice3A_544, [1, 0] : vector<36x1xf32> -> vector<1x36xf32>
    %broadcast_in_dim3A_557 = vector.shape_cast %transpose3A_556 : vector<1x36xf32> to vector<1x36xf32>
    %broadcast_in_dim3A_558 = vector.broadcast %broadcast_in_dim3A_557 : vector<1x36xf32> to vector<36x36xf32>
    %broadcast_in_dim3A_559 = vector.shape_cast %slice3A_544 : vector<36x1xf32> to vector<36x1xf32>
    %broadcast_in_dim3A_560 = vector.broadcast %broadcast_in_dim3A_559 : vector<36x1xf32> to vector<36x36xf32>
    %max3A_561 = arith.maximumf %broadcast_in_dim3A_558, %broadcast_in_dim3A_560 : vector<36x36xf32>
    %transpose3A_562 = tpu.transpose %slice3A_545, [1, 0] : vector<36x1xf32> -> vector<1x36xf32>
    %broadcast_in_dim3A_563 = vector.shape_cast %transpose3A_562 : vector<1x36xf32> to vector<1x36xf32>
    %broadcast_in_dim3A_564 = vector.broadcast %broadcast_in_dim3A_563 : vector<1x36xf32> to vector<36x36xf32>
    %broadcast_in_dim3A_565 = vector.shape_cast %slice3A_545 : vector<36x1xf32> to vector<36x1xf32>
    %broadcast_in_dim3A_566 = vector.broadcast %broadcast_in_dim3A_565 : vector<36x1xf32> to vector<36x36xf32>
    %min3A_567 = arith.minimumf %broadcast_in_dim3A_564, %broadcast_in_dim3A_566 : vector<36x36xf32>
    %transpose3A_568 = tpu.transpose %slice3A_546, [1, 0] : vector<36x1xf32> -> vector<1x36xf32>
    %broadcast_in_dim3A_569 = vector.shape_cast %transpose3A_568 : vector<1x36xf32> to vector<1x36xf32>
    %broadcast_in_dim3A_570 = vector.broadcast %broadcast_in_dim3A_569 : vector<1x36xf32> to vector<36x36xf32>
    %broadcast_in_dim3A_571 = vector.shape_cast %slice3A_546 : vector<36x1xf32> to vector<36x1xf32>
    %broadcast_in_dim3A_572 = vector.broadcast %broadcast_in_dim3A_571 : vector<36x1xf32> to vector<36x36xf32>
    %min3A_573 = arith.minimumf %broadcast_in_dim3A_570, %broadcast_in_dim3A_572 : vector<36x36xf32>
    %sub3A_574 = arith.subf %min3A_567, %max3A_555 : vector<36x36xf32>
    %max3A_575 = arith.constant 0.000000e+00 : f32
    %max3A_576 = vector.broadcast %max3A_575 : f32 to vector<36x36xf32>
    %max3A_577 = arith.maximumf %max3A_576, %sub3A_574 : vector<36x36xf32>
    %sub3A_578 = arith.subf %min3A_573, %max3A_561 : vector<36x36xf32>
    %max3A_579 = arith.constant 0.000000e+00 : f32
    %max3A_580 = vector.broadcast %max3A_579 : f32 to vector<36x36xf32>
    %max3A_581 = arith.maximumf %max3A_580, %sub3A_578 : vector<36x36xf32>
    %mul3A_582 = arith.mulf %max3A_577, %max3A_581 : vector<36x36xf32>
    %broadcast_in_dim3A_583 = vector.shape_cast %mul3A_549 : vector<36x1xf32> to vector<36x1xf32>
    %broadcast_in_dim3A_584 = vector.broadcast %broadcast_in_dim3A_583 : vector<36x1xf32> to vector<36x36xf32>
    %transpose3A_585 = tpu.transpose %mul3A_549, [1, 0] : vector<36x1xf32> -> vector<1x36xf32>
    %broadcast_in_dim3A_586 = vector.shape_cast %transpose3A_585 : vector<1x36xf32> to vector<1x36xf32>
    %broadcast_in_dim3A_587 = vector.broadcast %broadcast_in_dim3A_586 : vector<1x36xf32> to vector<36x36xf32>
    %add3A_588 = arith.addf %broadcast_in_dim3A_584, %broadcast_in_dim3A_587 : vector<36x36xf32>
    %sub3A_589 = arith.subf %add3A_588, %mul3A_582 : vector<36x36xf32>
    %div3A_590 = arith.divf %mul3A_582, %sub3A_589 : vector<36x36xf32>
    %div3A_591 = arith.divf %mul3A_582, %broadcast_in_dim3A_587 : vector<36x36xf32>
    %div3A_592 = arith.divf %mul3A_582, %broadcast_in_dim3A_584 : vector<36x36xf32>
    %get3A_593 = arith.constant 0 : index
    %get3A_594 = arith.constant 0 : index
    %get3A_595 = vector.load %arg7[%get3A_593, %get3A_594] : memref<100x6xf32, #tpu.memory_space<vmem>>, vector<100x6xf32>
    %dot_general3A_596 = arith.constant dense<0.000000e+00> : vector<36x100xf32>
    %dot_general3A_597 = tpu.matmul %get3A_542, %get3A_595, %dot_general3A_596 {dimension_numbers = #tpu.dot_dimension_numbers<[1], [1], [0], [0], [0, 0, 1, 0], [], []>, transpose_lhs_hint = false} : vector<36x6xf32>, vector<100x6xf32>, vector<36x100xf32> -> vector<36x100xf32>
    %get3A_598 = arith.constant 0 : index
    %get3A_599 = arith.constant 0 : index
    %get3A_600 = vector.load %arg8[%get3A_598, %get3A_599] : memref<100x6xf32, #tpu.memory_space<vmem>>, vector<100x6xf32>
    %dot_general3A_601 = arith.constant dense<0.000000e+00> : vector<36x100xf32>
    %dot_general3A_602 = tpu.matmul %get3A_542, %get3A_600, %dot_general3A_601 {dimension_numbers = #tpu.dot_dimension_numbers<[1], [1], [0], [0], [0, 0, 1, 0], [], []>, transpose_lhs_hint = false} : vector<36x6xf32>, vector<100x6xf32>, vector<36x100xf32> -> vector<36x100xf32>
    %get3A_603 = arith.constant 3 : index
    %get3A_604 = arith.constant 0 : index
    %get3A_605 = vector.load %arg4[%get3A_603, %get3A_604] : memref<8x1xf32, #tpu.memory_space<vmem>>, vector<1x1xf32>
    %mul3A_606 = vector.broadcast %get3A_605 : vector<1x1xf32> to vector<1x100xf32>
    %mul3A_607 = arith.mulf %mul3A_606, %get3A_115 : vector<1x100xf32>
    %add3A_608 = vector.broadcast %mul3A_607 : vector<1x100xf32> to vector<36x100xf32>
    %add3A_609 = arith.addf %dot_general3A_597, %add3A_608 : vector<36x100xf32>
    %add3A_610 = vector.broadcast %get3A_130 : vector<1x100xf32> to vector<36x100xf32>
    %add3A_611 = arith.addf %add3A_609, %add3A_610 : vector<36x100xf32>
    %broadcast_in_dim3A_612 = vector.shape_cast %get3A_537 : vector<36x36xf32> to vector<36x36x1xf32>
    %broadcast_in_dim3A_613 = vector.shape_cast %get3A_118 : vector<1x100xf32> to vector<1x1x100xf32>
    %mul3A_614 = vector.broadcast %broadcast_in_dim3A_612 : vector<36x36x1xf32> to vector<36x36x100xf32>
    %mul3A_615 = vector.broadcast %broadcast_in_dim3A_613 : vector<1x1x100xf32> to vector<36x36x100xf32>
    %mul3A_616 = arith.mulf %mul3A_614, %mul3A_615 : vector<36x36x100xf32>
    %broadcast_in_dim3A_617 = vector.shape_cast %div3A_590 : vector<36x36xf32> to vector<36x36x1xf32>
    %broadcast_in_dim3A_618 = vector.shape_cast %get3A_121 : vector<1x100xf32> to vector<1x1x100xf32>
    %mul3A_619 = vector.broadcast %broadcast_in_dim3A_617 : vector<36x36x1xf32> to vector<36x36x100xf32>
    %mul3A_620 = vector.broadcast %broadcast_in_dim3A_618 : vector<1x1x100xf32> to vector<36x36x100xf32>
    %mul3A_621 = arith.mulf %mul3A_619, %mul3A_620 : vector<36x36x100xf32>
    %add3A_622 = arith.addf %mul3A_616, %mul3A_621 : vector<36x36x100xf32>
    %broadcast_in_dim3A_623 = vector.shape_cast %div3A_591 : vector<36x36xf32> to vector<36x36x1xf32>
    %broadcast_in_dim3A_624 = vector.shape_cast %get3A_124 : vector<1x100xf32> to vector<1x1x100xf32>
    %mul3A_625 = vector.broadcast %broadcast_in_dim3A_623 : vector<36x36x1xf32> to vector<36x36x100xf32>
    %mul3A_626 = vector.broadcast %broadcast_in_dim3A_624 : vector<1x1x100xf32> to vector<36x36x100xf32>
    %mul3A_627 = arith.mulf %mul3A_625, %mul3A_626 : vector<36x36x100xf32>
    %add3A_628 = arith.addf %add3A_622, %mul3A_627 : vector<36x36x100xf32>
    %broadcast_in_dim3A_629 = vector.shape_cast %div3A_592 : vector<36x36xf32> to vector<36x36x1xf32>
    %broadcast_in_dim3A_630 = vector.shape_cast %get3A_127 : vector<1x100xf32> to vector<1x1x100xf32>
    %mul3A_631 = vector.broadcast %broadcast_in_dim3A_629 : vector<36x36x1xf32> to vector<36x36x100xf32>
    %mul3A_632 = vector.broadcast %broadcast_in_dim3A_630 : vector<1x1x100xf32> to vector<36x36x100xf32>
    %mul3A_633 = arith.mulf %mul3A_631, %mul3A_632 : vector<36x36x100xf32>
    %add3A_634 = arith.addf %add3A_628, %mul3A_633 : vector<36x36x100xf32>
    %broadcast_in_dim3A_635 = vector.shape_cast %add3A_611 : vector<36x100xf32> to vector<1x36x100xf32>
    %add3A_636 = vector.broadcast %broadcast_in_dim3A_635 : vector<1x36x100xf32> to vector<36x36x100xf32>
    %add3A_637 = arith.addf %add3A_634, %add3A_636 : vector<36x36x100xf32>
    %broadcast_in_dim3A_638 = vector.shape_cast %dot_general3A_602 : vector<36x100xf32> to vector<36x1x100xf32>
    %add3A_639 = vector.broadcast %broadcast_in_dim3A_638 : vector<36x1x100xf32> to vector<36x36x100xf32>
    %add3A_640 = arith.addf %add3A_637, %add3A_639 : vector<36x36x100xf32>
    %jit3A_641 = arith.constant 0.00999999977 : f32
    %ge3A_642 = arith.constant 0.000000e+00 : f32
    %ge3A_643 = vector.broadcast %ge3A_642 : f32 to vector<36x36x100xf32>
    %ge3A_644 = arith.cmpf oge, %add3A_640, %ge3A_643 : vector<36x36x100xf32>
    %mul3A_645 = vector.broadcast %jit3A_641 : f32 to vector<36x36x100xf32>
    %mul3A_646 = arith.mulf %mul3A_645, %add3A_640 : vector<36x36x100xf32>
    %select_n3A_647 = arith.select %ge3A_644, %add3A_640, %mul3A_646 : vector<36x36x100xi1>, vector<36x36x100xf32>
    %broadcast_in_dim3A_648 = vector.shape_cast %get3A_133 : vector<1x100xf32> to vector<1x1x100xf32>
    %mul3A_649 = vector.broadcast %broadcast_in_dim3A_648 : vector<1x1x100xf32> to vector<36x36x100xf32>
    %mul3A_650 = arith.mulf %select_n3A_647, %mul3A_649 : vector<36x36x100xf32>
    %reduce_sum3A_651 = arith.constant dense<0.000000e+00> : vector<36x36xf32>
    %reduce_sum3A_652 = vector.multi_reduction <add>, %mul3A_650, %reduce_sum3A_651 [2] : vector<36x36x100xf32> to vector<36x36xf32>
    %add3A_653 = vector.broadcast %get3A_135 : f32 to vector<36x36xf32>
    %add3A_654 = arith.addf %reduce_sum3A_652, %add3A_653 : vector<36x36xf32>
    %swap3A_655 = arith.constant 3 : index
    %swap3A_656 = arith.constant 0 : index
    %swap3A_657 = arith.constant 0 : index
    %swap3A_658 = vector.load %arg13[%swap3A_655, %swap3A_656, %swap3A_657] : memref<8x36x36xf32, #tpu.memory_space<vmem>>, vector<1x36x36xf32>
    %swap3A_659 = vector.shape_cast %swap3A_658 : vector<1x36x36xf32> to vector<36x36xf32>
    %swap3A_660 = vector.shape_cast %add3A_654 : vector<36x36xf32> to vector<1x36x36xf32>
    tpu.vector_store %arg13[%swap3A_655, %swap3A_656, %swap3A_657], %swap3A_660 {strides = array<i32>} : memref<8x36x36xf32, #tpu.memory_space<vmem>>, vector<1x36x36xf32>,
    %get3A_661 = arith.constant 144 : index
    %get3A_662 = arith.constant 144 : index
    %get3A_663 = vector.load %arg14[%get3A_661, %get3A_662] : memref<288x288xf32, #tpu.memory_space<vmem>>, vector<36x36xf32>
    %swap3A_664 = arith.constant 0 : index
    %swap3A_665 = arith.constant 0 : index
    %swap3A_666 = vector.load %arg15[%swap3A_664, %swap3A_665] : memref<36x36xf32, #tpu.memory_space<vmem>>, vector<36x36xf32>
    tpu.vector_store %arg15[%swap3A_664, %swap3A_665], %get3A_663 {strides = array<i32>} : memref<36x36xf32, #tpu.memory_space<vmem>>, vector<36x36xf32>,
    %get3A_667 = arith.constant 0 : index
    %get3A_668 = arith.constant 0 : index
    %get3A_669 = vector.load %arg15[%get3A_667, %get3A_668] : memref<36x36xf32, #tpu.memory_space<vmem>>, vector<36x36xf32>
    %get3A_670 = arith.constant 4 : index
    %get3A_671 = arith.constant 0 : index
    %get3A_672 = arith.constant 0 : index
    %get3A_673 = vector.load %arg2[%get3A_670, %get3A_671, %get3A_672] : memref<8x36x6xf32, #tpu.memory_space<vmem>>, vector<1x36x6xf32>
    %get3A_674 = vector.shape_cast %get3A_673 : vector<1x36x6xf32> to vector<36x6xf32>
    %slice3A_675 = vector.extract_strided_slice %get3A_674 {offsets = [0, 0], sizes = [36, 1], strides = [1, 1]} : vector<36x6xf32> to vector<36x1xf32>
    %slice3A_676 = vector.extract_strided_slice %get3A_674 {offsets = [0, 1], sizes = [36, 1], strides = [1, 1]} : vector<36x6xf32> to vector<36x1xf32>
    %slice3A_677 = vector.extract_strided_slice %get3A_674 {offsets = [0, 2], sizes = [36, 1], strides = [1, 1]} : vector<36x6xf32> to vector<36x1xf32>
    %slice3A_678 = vector.extract_strided_slice %get3A_674 {offsets = [0, 3], sizes = [36, 1], strides = [1, 1]} : vector<36x6xf32> to vector<36x1xf32>
    %sub3A_679 = arith.subf %slice3A_677, %slice3A_675 : vector<36x1xf32>
    %sub3A_680 = arith.subf %slice3A_678, %slice3A_676 : vector<36x1xf32>
    %mul3A_681 = arith.mulf %sub3A_679, %sub3A_680 : vector<36x1xf32>
    %transpose3A_682 = tpu.transpose %slice3A_675, [1, 0] : vector<36x1xf32> -> vector<1x36xf32>
    %broadcast_in_dim3A_683 = vector.shape_cast %transpose3A_682 : vector<1x36xf32> to vector<1x36xf32>
    %broadcast_in_dim3A_684 = vector.broadcast %broadcast_in_dim3A_683 : vector<1x36xf32> to vector<36x36xf32>
    %broadcast_in_dim3A_685 = vector.shape_cast %slice3A_675 : vector<36x1xf32> to vector<36x1xf32>
    %broadcast_in_dim3A_686 = vector.broadcast %broadcast_in_dim3A_685 : vector<36x1xf32> to vector<36x36xf32>
    %max3A_687 = arith.maximumf %broadcast_in_dim3A_684, %broadcast_in_dim3A_686 : vector<36x36xf32>
    %transpose3A_688 = tpu.transpose %slice3A_676, [1, 0] : vector<36x1xf32> -> vector<1x36xf32>
    %broadcast_in_dim3A_689 = vector.shape_cast %transpose3A_688 : vector<1x36xf32> to vector<1x36xf32>
    %broadcast_in_dim3A_690 = vector.broadcast %broadcast_in_dim3A_689 : vector<1x36xf32> to vector<36x36xf32>
    %broadcast_in_dim3A_691 = vector.shape_cast %slice3A_676 : vector<36x1xf32> to vector<36x1xf32>
    %broadcast_in_dim3A_692 = vector.broadcast %broadcast_in_dim3A_691 : vector<36x1xf32> to vector<36x36xf32>
    %max3A_693 = arith.maximumf %broadcast_in_dim3A_690, %broadcast_in_dim3A_692 : vector<36x36xf32>
    %transpose3A_694 = tpu.transpose %slice3A_677, [1, 0] : vector<36x1xf32> -> vector<1x36xf32>
    %broadcast_in_dim3A_695 = vector.shape_cast %transpose3A_694 : vector<1x36xf32> to vector<1x36xf32>
    %broadcast_in_dim3A_696 = vector.broadcast %broadcast_in_dim3A_695 : vector<1x36xf32> to vector<36x36xf32>
    %broadcast_in_dim3A_697 = vector.shape_cast %slice3A_677 : vector<36x1xf32> to vector<36x1xf32>
    %broadcast_in_dim3A_698 = vector.broadcast %broadcast_in_dim3A_697 : vector<36x1xf32> to vector<36x36xf32>
    %min3A_699 = arith.minimumf %broadcast_in_dim3A_696, %broadcast_in_dim3A_698 : vector<36x36xf32>
    %transpose3A_700 = tpu.transpose %slice3A_678, [1, 0] : vector<36x1xf32> -> vector<1x36xf32>
    %broadcast_in_dim3A_701 = vector.shape_cast %transpose3A_700 : vector<1x36xf32> to vector<1x36xf32>
    %broadcast_in_dim3A_702 = vector.broadcast %broadcast_in_dim3A_701 : vector<1x36xf32> to vector<36x36xf32>
    %broadcast_in_dim3A_703 = vector.shape_cast %slice3A_678 : vector<36x1xf32> to vector<36x1xf32>
    %broadcast_in_dim3A_704 = vector.broadcast %broadcast_in_dim3A_703 : vector<36x1xf32> to vector<36x36xf32>
    %min3A_705 = arith.minimumf %broadcast_in_dim3A_702, %broadcast_in_dim3A_704 : vector<36x36xf32>
    %sub3A_706 = arith.subf %min3A_699, %max3A_687 : vector<36x36xf32>
    %max3A_707 = arith.constant 0.000000e+00 : f32
    %max3A_708 = vector.broadcast %max3A_707 : f32 to vector<36x36xf32>
    %max3A_709 = arith.maximumf %max3A_708, %sub3A_706 : vector<36x36xf32>
    %sub3A_710 = arith.subf %min3A_705, %max3A_693 : vector<36x36xf32>
    %max3A_711 = arith.constant 0.000000e+00 : f32
    %max3A_712 = vector.broadcast %max3A_711 : f32 to vector<36x36xf32>
    %max3A_713 = arith.maximumf %max3A_712, %sub3A_710 : vector<36x36xf32>
    %mul3A_714 = arith.mulf %max3A_709, %max3A_713 : vector<36x36xf32>
    %broadcast_in_dim3A_715 = vector.shape_cast %mul3A_681 : vector<36x1xf32> to vector<36x1xf32>
    %broadcast_in_dim3A_716 = vector.broadcast %broadcast_in_dim3A_715 : vector<36x1xf32> to vector<36x36xf32>
    %transpose3A_717 = tpu.transpose %mul3A_681, [1, 0] : vector<36x1xf32> -> vector<1x36xf32>
    %broadcast_in_dim3A_718 = vector.shape_cast %transpose3A_717 : vector<1x36xf32> to vector<1x36xf32>
    %broadcast_in_dim3A_719 = vector.broadcast %broadcast_in_dim3A_718 : vector<1x36xf32> to vector<36x36xf32>
    %add3A_720 = arith.addf %broadcast_in_dim3A_716, %broadcast_in_dim3A_719 : vector<36x36xf32>
    %sub3A_721 = arith.subf %add3A_720, %mul3A_714 : vector<36x36xf32>
    %div3A_722 = arith.divf %mul3A_714, %sub3A_721 : vector<36x36xf32>
    %div3A_723 = arith.divf %mul3A_714, %broadcast_in_dim3A_719 : vector<36x36xf32>
    %div3A_724 = arith.divf %mul3A_714, %broadcast_in_dim3A_716 : vector<36x36xf32>
    %get3A_725 = arith.constant 0 : index
    %get3A_726 = arith.constant 0 : index
    %get3A_727 = vector.load %arg7[%get3A_725, %get3A_726] : memref<100x6xf32, #tpu.memory_space<vmem>>, vector<100x6xf32>
    %dot_general3A_728 = arith.constant dense<0.000000e+00> : vector<36x100xf32>
    %dot_general3A_729 = tpu.matmul %get3A_674, %get3A_727, %dot_general3A_728 {dimension_numbers = #tpu.dot_dimension_numbers<[1], [1], [0], [0], [0, 0, 1, 0], [], []>, transpose_lhs_hint = false} : vector<36x6xf32>, vector<100x6xf32>, vector<36x100xf32> -> vector<36x100xf32>
    %get3A_730 = arith.constant 0 : index
    %get3A_731 = arith.constant 0 : index
    %get3A_732 = vector.load %arg8[%get3A_730, %get3A_731] : memref<100x6xf32, #tpu.memory_space<vmem>>, vector<100x6xf32>
    %dot_general3A_733 = arith.constant dense<0.000000e+00> : vector<36x100xf32>
    %dot_general3A_734 = tpu.matmul %get3A_674, %get3A_732, %dot_general3A_733 {dimension_numbers = #tpu.dot_dimension_numbers<[1], [1], [0], [0], [0, 0, 1, 0], [], []>, transpose_lhs_hint = false} : vector<36x6xf32>, vector<100x6xf32>, vector<36x100xf32> -> vector<36x100xf32>
    %get3A_735 = arith.constant 4 : index
    %get3A_736 = arith.constant 0 : index
    %get3A_737 = vector.load %arg4[%get3A_735, %get3A_736] : memref<8x1xf32, #tpu.memory_space<vmem>>, vector<1x1xf32>
    %mul3A_738 = vector.broadcast %get3A_737 : vector<1x1xf32> to vector<1x100xf32>
    %mul3A_739 = arith.mulf %mul3A_738, %get3A_115 : vector<1x100xf32>
    %add3A_740 = vector.broadcast %mul3A_739 : vector<1x100xf32> to vector<36x100xf32>
    %add3A_741 = arith.addf %dot_general3A_729, %add3A_740 : vector<36x100xf32>
    %add3A_742 = vector.broadcast %get3A_130 : vector<1x100xf32> to vector<36x100xf32>
    %add3A_743 = arith.addf %add3A_741, %add3A_742 : vector<36x100xf32>
    %broadcast_in_dim3A_744 = vector.shape_cast %get3A_669 : vector<36x36xf32> to vector<36x36x1xf32>
    %broadcast_in_dim3A_745 = vector.shape_cast %get3A_118 : vector<1x100xf32> to vector<1x1x100xf32>
    %mul3A_746 = vector.broadcast %broadcast_in_dim3A_744 : vector<36x36x1xf32> to vector<36x36x100xf32>
    %mul3A_747 = vector.broadcast %broadcast_in_dim3A_745 : vector<1x1x100xf32> to vector<36x36x100xf32>
    %mul3A_748 = arith.mulf %mul3A_746, %mul3A_747 : vector<36x36x100xf32>
    %broadcast_in_dim3A_749 = vector.shape_cast %div3A_722 : vector<36x36xf32> to vector<36x36x1xf32>
    %broadcast_in_dim3A_750 = vector.shape_cast %get3A_121 : vector<1x100xf32> to vector<1x1x100xf32>
    %mul3A_751 = vector.broadcast %broadcast_in_dim3A_749 : vector<36x36x1xf32> to vector<36x36x100xf32>
    %mul3A_752 = vector.broadcast %broadcast_in_dim3A_750 : vector<1x1x100xf32> to vector<36x36x100xf32>
    %mul3A_753 = arith.mulf %mul3A_751, %mul3A_752 : vector<36x36x100xf32>
    %add3A_754 = arith.addf %mul3A_748, %mul3A_753 : vector<36x36x100xf32>
    %broadcast_in_dim3A_755 = vector.shape_cast %div3A_723 : vector<36x36xf32> to vector<36x36x1xf32>
    %broadcast_in_dim3A_756 = vector.shape_cast %get3A_124 : vector<1x100xf32> to vector<1x1x100xf32>
    %mul3A_757 = vector.broadcast %broadcast_in_dim3A_755 : vector<36x36x1xf32> to vector<36x36x100xf32>
    %mul3A_758 = vector.broadcast %broadcast_in_dim3A_756 : vector<1x1x100xf32> to vector<36x36x100xf32>
    %mul3A_759 = arith.mulf %mul3A_757, %mul3A_758 : vector<36x36x100xf32>
    %add3A_760 = arith.addf %add3A_754, %mul3A_759 : vector<36x36x100xf32>
    %broadcast_in_dim3A_761 = vector.shape_cast %div3A_724 : vector<36x36xf32> to vector<36x36x1xf32>
    %broadcast_in_dim3A_762 = vector.shape_cast %get3A_127 : vector<1x100xf32> to vector<1x1x100xf32>
    %mul3A_763 = vector.broadcast %broadcast_in_dim3A_761 : vector<36x36x1xf32> to vector<36x36x100xf32>
    %mul3A_764 = vector.broadcast %broadcast_in_dim3A_762 : vector<1x1x100xf32> to vector<36x36x100xf32>
    %mul3A_765 = arith.mulf %mul3A_763, %mul3A_764 : vector<36x36x100xf32>
    %add3A_766 = arith.addf %add3A_760, %mul3A_765 : vector<36x36x100xf32>
    %broadcast_in_dim3A_767 = vector.shape_cast %add3A_743 : vector<36x100xf32> to vector<1x36x100xf32>
    %add3A_768 = vector.broadcast %broadcast_in_dim3A_767 : vector<1x36x100xf32> to vector<36x36x100xf32>
    %add3A_769 = arith.addf %add3A_766, %add3A_768 : vector<36x36x100xf32>
    %broadcast_in_dim3A_770 = vector.shape_cast %dot_general3A_734 : vector<36x100xf32> to vector<36x1x100xf32>
    %add3A_771 = vector.broadcast %broadcast_in_dim3A_770 : vector<36x1x100xf32> to vector<36x36x100xf32>
    %add3A_772 = arith.addf %add3A_769, %add3A_771 : vector<36x36x100xf32>
    %jit3A_773 = arith.constant 0.00999999977 : f32
    %ge3A_774 = arith.constant 0.000000e+00 : f32
    %ge3A_775 = vector.broadcast %ge3A_774 : f32 to vector<36x36x100xf32>
    %ge3A_776 = arith.cmpf oge, %add3A_772, %ge3A_775 : vector<36x36x100xf32>
    %mul3A_777 = vector.broadcast %jit3A_773 : f32 to vector<36x36x100xf32>
    %mul3A_778 = arith.mulf %mul3A_777, %add3A_772 : vector<36x36x100xf32>
    %select_n3A_779 = arith.select %ge3A_776, %add3A_772, %mul3A_778 : vector<36x36x100xi1>, vector<36x36x100xf32>
    %broadcast_in_dim3A_780 = vector.shape_cast %get3A_133 : vector<1x100xf32> to vector<1x1x100xf32>
    %mul3A_781 = vector.broadcast %broadcast_in_dim3A_780 : vector<1x1x100xf32> to vector<36x36x100xf32>
    %mul3A_782 = arith.mulf %select_n3A_779, %mul3A_781 : vector<36x36x100xf32>
    %reduce_sum3A_783 = arith.constant dense<0.000000e+00> : vector<36x36xf32>
    %reduce_sum3A_784 = vector.multi_reduction <add>, %mul3A_782, %reduce_sum3A_783 [2] : vector<36x36x100xf32> to vector<36x36xf32>
    %add3A_785 = vector.broadcast %get3A_135 : f32 to vector<36x36xf32>
    %add3A_786 = arith.addf %reduce_sum3A_784, %add3A_785 : vector<36x36xf32>
    %swap3A_787 = arith.constant 4 : index
    %swap3A_788 = arith.constant 0 : index
    %swap3A_789 = arith.constant 0 : index
    %swap3A_790 = vector.load %arg13[%swap3A_787, %swap3A_788, %swap3A_789] : memref<8x36x36xf32, #tpu.memory_space<vmem>>, vector<1x36x36xf32>
    %swap3A_791 = vector.shape_cast %swap3A_790 : vector<1x36x36xf32> to vector<36x36xf32>
    %swap3A_792 = vector.shape_cast %add3A_786 : vector<36x36xf32> to vector<1x36x36xf32>
    tpu.vector_store %arg13[%swap3A_787, %swap3A_788, %swap3A_789], %swap3A_792 {strides = array<i32>} : memref<8x36x36xf32, #tpu.memory_space<vmem>>, vector<1x36x36xf32>,
    %get3A_793 = arith.constant 180 : index
    %get3A_794 = arith.constant 180 : index
    %get3A_795 = vector.load %arg14[%get3A_793, %get3A_794] : memref<288x288xf32, #tpu.memory_space<vmem>>, vector<36x36xf32>
    %swap3A_796 = arith.constant 0 : index
    %swap3A_797 = arith.constant 0 : index
    %swap3A_798 = vector.load %arg15[%swap3A_796, %swap3A_797] : memref<36x36xf32, #tpu.memory_space<vmem>>, vector<36x36xf32>
    tpu.vector_store %arg15[%swap3A_796, %swap3A_797], %get3A_795 {strides = array<i32>} : memref<36x36xf32, #tpu.memory_space<vmem>>, vector<36x36xf32>,
    %get3A_799 = arith.constant 0 : index
    %get3A_800 = arith.constant 0 : index
    %get3A_801 = vector.load %arg15[%get3A_799, %get3A_800] : memref<36x36xf32, #tpu.memory_space<vmem>>, vector<36x36xf32>
    %get3A_802 = arith.constant 5 : index
    %get3A_803 = arith.constant 0 : index
    %get3A_804 = arith.constant 0 : index
    %get3A_805 = vector.load %arg2[%get3A_802, %get3A_803, %get3A_804] : memref<8x36x6xf32, #tpu.memory_space<vmem>>, vector<1x36x6xf32>
    %get3A_806 = vector.shape_cast %get3A_805 : vector<1x36x6xf32> to vector<36x6xf32>
    %slice3A_807 = vector.extract_strided_slice %get3A_806 {offsets = [0, 0], sizes = [36, 1], strides = [1, 1]} : vector<36x6xf32> to vector<36x1xf32>
    %slice3A_808 = vector.extract_strided_slice %get3A_806 {offsets = [0, 1], sizes = [36, 1], strides = [1, 1]} : vector<36x6xf32> to vector<36x1xf32>
    %slice3A_809 = vector.extract_strided_slice %get3A_806 {offsets = [0, 2], sizes = [36, 1], strides = [1, 1]} : vector<36x6xf32> to vector<36x1xf32>
    %slice3A_810 = vector.extract_strided_slice %get3A_806 {offsets = [0, 3], sizes = [36, 1], strides = [1, 1]} : vector<36x6xf32> to vector<36x1xf32>
    %sub3A_811 = arith.subf %slice3A_809, %slice3A_807 : vector<36x1xf32>
    %sub3A_812 = arith.subf %slice3A_810, %slice3A_808 : vector<36x1xf32>
    %mul3A_813 = arith.mulf %sub3A_811, %sub3A_812 : vector<36x1xf32>
    %transpose3A_814 = tpu.transpose %slice3A_807, [1, 0] : vector<36x1xf32> -> vector<1x36xf32>
    %broadcast_in_dim3A_815 = vector.shape_cast %transpose3A_814 : vector<1x36xf32> to vector<1x36xf32>
    %broadcast_in_dim3A_816 = vector.broadcast %broadcast_in_dim3A_815 : vector<1x36xf32> to vector<36x36xf32>
    %broadcast_in_dim3A_817 = vector.shape_cast %slice3A_807 : vector<36x1xf32> to vector<36x1xf32>
    %broadcast_in_dim3A_818 = vector.broadcast %broadcast_in_dim3A_817 : vector<36x1xf32> to vector<36x36xf32>
    %max3A_819 = arith.maximumf %broadcast_in_dim3A_816, %broadcast_in_dim3A_818 : vector<36x36xf32>
    %transpose3A_820 = tpu.transpose %slice3A_808, [1, 0] : vector<36x1xf32> -> vector<1x36xf32>
    %broadcast_in_dim3A_821 = vector.shape_cast %transpose3A_820 : vector<1x36xf32> to vector<1x36xf32>
    %broadcast_in_dim3A_822 = vector.broadcast %broadcast_in_dim3A_821 : vector<1x36xf32> to vector<36x36xf32>
    %broadcast_in_dim3A_823 = vector.shape_cast %slice3A_808 : vector<36x1xf32> to vector<36x1xf32>
    %broadcast_in_dim3A_824 = vector.broadcast %broadcast_in_dim3A_823 : vector<36x1xf32> to vector<36x36xf32>
    %max3A_825 = arith.maximumf %broadcast_in_dim3A_822, %broadcast_in_dim3A_824 : vector<36x36xf32>
    %transpose3A_826 = tpu.transpose %slice3A_809, [1, 0] : vector<36x1xf32> -> vector<1x36xf32>
    %broadcast_in_dim3A_827 = vector.shape_cast %transpose3A_826 : vector<1x36xf32> to vector<1x36xf32>
    %broadcast_in_dim3A_828 = vector.broadcast %broadcast_in_dim3A_827 : vector<1x36xf32> to vector<36x36xf32>
    %broadcast_in_dim3A_829 = vector.shape_cast %slice3A_809 : vector<36x1xf32> to vector<36x1xf32>
    %broadcast_in_dim3A_830 = vector.broadcast %broadcast_in_dim3A_829 : vector<36x1xf32> to vector<36x36xf32>
    %min3A_831 = arith.minimumf %broadcast_in_dim3A_828, %broadcast_in_dim3A_830 : vector<36x36xf32>
    %transpose3A_832 = tpu.transpose %slice3A_810, [1, 0] : vector<36x1xf32> -> vector<1x36xf32>
    %broadcast_in_dim3A_833 = vector.shape_cast %transpose3A_832 : vector<1x36xf32> to vector<1x36xf32>
    %broadcast_in_dim3A_834 = vector.broadcast %broadcast_in_dim3A_833 : vector<1x36xf32> to vector<36x36xf32>
    %broadcast_in_dim3A_835 = vector.shape_cast %slice3A_810 : vector<36x1xf32> to vector<36x1xf32>
    %broadcast_in_dim3A_836 = vector.broadcast %broadcast_in_dim3A_835 : vector<36x1xf32> to vector<36x36xf32>
    %min3A_837 = arith.minimumf %broadcast_in_dim3A_834, %broadcast_in_dim3A_836 : vector<36x36xf32>
    %sub3A_838 = arith.subf %min3A_831, %max3A_819 : vector<36x36xf32>
    %max3A_839 = arith.constant 0.000000e+00 : f32
    %max3A_840 = vector.broadcast %max3A_839 : f32 to vector<36x36xf32>
    %max3A_841 = arith.maximumf %max3A_840, %sub3A_838 : vector<36x36xf32>
    %sub3A_842 = arith.subf %min3A_837, %max3A_825 : vector<36x36xf32>
    %max3A_843 = arith.constant 0.000000e+00 : f32
    %max3A_844 = vector.broadcast %max3A_843 : f32 to vector<36x36xf32>
    %max3A_845 = arith.maximumf %max3A_844, %sub3A_842 : vector<36x36xf32>
    %mul3A_846 = arith.mulf %max3A_841, %max3A_845 : vector<36x36xf32>
    %broadcast_in_dim3A_847 = vector.shape_cast %mul3A_813 : vector<36x1xf32> to vector<36x1xf32>
    %broadcast_in_dim3A_848 = vector.broadcast %broadcast_in_dim3A_847 : vector<36x1xf32> to vector<36x36xf32>
    %transpose3A_849 = tpu.transpose %mul3A_813, [1, 0] : vector<36x1xf32> -> vector<1x36xf32>
    %broadcast_in_dim3A_850 = vector.shape_cast %transpose3A_849 : vector<1x36xf32> to vector<1x36xf32>
    %broadcast_in_dim3A_851 = vector.broadcast %broadcast_in_dim3A_850 : vector<1x36xf32> to vector<36x36xf32>
    %add3A_852 = arith.addf %broadcast_in_dim3A_848, %broadcast_in_dim3A_851 : vector<36x36xf32>
    %sub3A_853 = arith.subf %add3A_852, %mul3A_846 : vector<36x36xf32>
    %div3A_854 = arith.divf %mul3A_846, %sub3A_853 : vector<36x36xf32>
    %div3A_855 = arith.divf %mul3A_846, %broadcast_in_dim3A_851 : vector<36x36xf32>
    %div3A_856 = arith.divf %mul3A_846, %broadcast_in_dim3A_848 : vector<36x36xf32>
    %get3A_857 = arith.constant 0 : index
    %get3A_858 = arith.constant 0 : index
    %get3A_859 = vector.load %arg7[%get3A_857, %get3A_858] : memref<100x6xf32, #tpu.memory_space<vmem>>, vector<100x6xf32>
    %dot_general3A_860 = arith.constant dense<0.000000e+00> : vector<36x100xf32>
    %dot_general3A_861 = tpu.matmul %get3A_806, %get3A_859, %dot_general3A_860 {dimension_numbers = #tpu.dot_dimension_numbers<[1], [1], [0], [0], [0, 0, 1, 0], [], []>, transpose_lhs_hint = false} : vector<36x6xf32>, vector<100x6xf32>, vector<36x100xf32> -> vector<36x100xf32>
    %get3A_862 = arith.constant 0 : index
    %get3A_863 = arith.constant 0 : index
    %get3A_864 = vector.load %arg8[%get3A_862, %get3A_863] : memref<100x6xf32, #tpu.memory_space<vmem>>, vector<100x6xf32>
    %dot_general3A_865 = arith.constant dense<0.000000e+00> : vector<36x100xf32>
    %dot_general3A_866 = tpu.matmul %get3A_806, %get3A_864, %dot_general3A_865 {dimension_numbers = #tpu.dot_dimension_numbers<[1], [1], [0], [0], [0, 0, 1, 0], [], []>, transpose_lhs_hint = false} : vector<36x6xf32>, vector<100x6xf32>, vector<36x100xf32> -> vector<36x100xf32>
    %get3A_867 = arith.constant 5 : index
    %get3A_868 = arith.constant 0 : index
    %get3A_869 = vector.load %arg4[%get3A_867, %get3A_868] : memref<8x1xf32, #tpu.memory_space<vmem>>, vector<1x1xf32>
    %mul3A_870 = vector.broadcast %get3A_869 : vector<1x1xf32> to vector<1x100xf32>
    %mul3A_871 = arith.mulf %mul3A_870, %get3A_115 : vector<1x100xf32>
    %add3A_872 = vector.broadcast %mul3A_871 : vector<1x100xf32> to vector<36x100xf32>
    %add3A_873 = arith.addf %dot_general3A_861, %add3A_872 : vector<36x100xf32>
    %add3A_874 = vector.broadcast %get3A_130 : vector<1x100xf32> to vector<36x100xf32>
    %add3A_875 = arith.addf %add3A_873, %add3A_874 : vector<36x100xf32>
    %broadcast_in_dim3A_876 = vector.shape_cast %get3A_801 : vector<36x36xf32> to vector<36x36x1xf32>
    %broadcast_in_dim3A_877 = vector.shape_cast %get3A_118 : vector<1x100xf32> to vector<1x1x100xf32>
    %mul3A_878 = vector.broadcast %broadcast_in_dim3A_876 : vector<36x36x1xf32> to vector<36x36x100xf32>
    %mul3A_879 = vector.broadcast %broadcast_in_dim3A_877 : vector<1x1x100xf32> to vector<36x36x100xf32>
    %mul3A_880 = arith.mulf %mul3A_878, %mul3A_879 : vector<36x36x100xf32>
    %broadcast_in_dim3A_881 = vector.shape_cast %div3A_854 : vector<36x36xf32> to vector<36x36x1xf32>
    %broadcast_in_dim3A_882 = vector.shape_cast %get3A_121 : vector<1x100xf32> to vector<1x1x100xf32>
    %mul3A_883 = vector.broadcast %broadcast_in_dim3A_881 : vector<36x36x1xf32> to vector<36x36x100xf32>
    %mul3A_884 = vector.broadcast %broadcast_in_dim3A_882 : vector<1x1x100xf32> to vector<36x36x100xf32>
    %mul3A_885 = arith.mulf %mul3A_883, %mul3A_884 : vector<36x36x100xf32>
    %add3A_886 = arith.addf %mul3A_880, %mul3A_885 : vector<36x36x100xf32>
    %broadcast_in_dim3A_887 = vector.shape_cast %div3A_855 : vector<36x36xf32> to vector<36x36x1xf32>
    %broadcast_in_dim3A_888 = vector.shape_cast %get3A_124 : vector<1x100xf32> to vector<1x1x100xf32>
    %mul3A_889 = vector.broadcast %broadcast_in_dim3A_887 : vector<36x36x1xf32> to vector<36x36x100xf32>
    %mul3A_890 = vector.broadcast %broadcast_in_dim3A_888 : vector<1x1x100xf32> to vector<36x36x100xf32>
    %mul3A_891 = arith.mulf %mul3A_889, %mul3A_890 : vector<36x36x100xf32>
    %add3A_892 = arith.addf %add3A_886, %mul3A_891 : vector<36x36x100xf32>
    %broadcast_in_dim3A_893 = vector.shape_cast %div3A_856 : vector<36x36xf32> to vector<36x36x1xf32>
    %broadcast_in_dim3A_894 = vector.shape_cast %get3A_127 : vector<1x100xf32> to vector<1x1x100xf32>
    %mul3A_895 = vector.broadcast %broadcast_in_dim3A_893 : vector<36x36x1xf32> to vector<36x36x100xf32>
    %mul3A_896 = vector.broadcast %broadcast_in_dim3A_894 : vector<1x1x100xf32> to vector<36x36x100xf32>
    %mul3A_897 = arith.mulf %mul3A_895, %mul3A_896 : vector<36x36x100xf32>
    %add3A_898 = arith.addf %add3A_892, %mul3A_897 : vector<36x36x100xf32>
    %broadcast_in_dim3A_899 = vector.shape_cast %add3A_875 : vector<36x100xf32> to vector<1x36x100xf32>
    %add3A_900 = vector.broadcast %broadcast_in_dim3A_899 : vector<1x36x100xf32> to vector<36x36x100xf32>
    %add3A_901 = arith.addf %add3A_898, %add3A_900 : vector<36x36x100xf32>
    %broadcast_in_dim3A_902 = vector.shape_cast %dot_general3A_866 : vector<36x100xf32> to vector<36x1x100xf32>
    %add3A_903 = vector.broadcast %broadcast_in_dim3A_902 : vector<36x1x100xf32> to vector<36x36x100xf32>
    %add3A_904 = arith.addf %add3A_901, %add3A_903 : vector<36x36x100xf32>
    %jit3A_905 = arith.constant 0.00999999977 : f32
    %ge3A_906 = arith.constant 0.000000e+00 : f32
    %ge3A_907 = vector.broadcast %ge3A_906 : f32 to vector<36x36x100xf32>
    %ge3A_908 = arith.cmpf oge, %add3A_904, %ge3A_907 : vector<36x36x100xf32>
    %mul3A_909 = vector.broadcast %jit3A_905 : f32 to vector<36x36x100xf32>
    %mul3A_910 = arith.mulf %mul3A_909, %add3A_904 : vector<36x36x100xf32>
    %select_n3A_911 = arith.select %ge3A_908, %add3A_904, %mul3A_910 : vector<36x36x100xi1>, vector<36x36x100xf32>
    %broadcast_in_dim3A_912 = vector.shape_cast %get3A_133 : vector<1x100xf32> to vector<1x1x100xf32>
    %mul3A_913 = vector.broadcast %broadcast_in_dim3A_912 : vector<1x1x100xf32> to vector<36x36x100xf32>
    %mul3A_914 = arith.mulf %select_n3A_911, %mul3A_913 : vector<36x36x100xf32>
    %reduce_sum3A_915 = arith.constant dense<0.000000e+00> : vector<36x36xf32>
    %reduce_sum3A_916 = vector.multi_reduction <add>, %mul3A_914, %reduce_sum3A_915 [2] : vector<36x36x100xf32> to vector<36x36xf32>
    %add3A_917 = vector.broadcast %get3A_135 : f32 to vector<36x36xf32>
    %add3A_918 = arith.addf %reduce_sum3A_916, %add3A_917 : vector<36x36xf32>
    %swap3A_919 = arith.constant 5 : index
    %swap3A_920 = arith.constant 0 : index
    %swap3A_921 = arith.constant 0 : index
    %swap3A_922 = vector.load %arg13[%swap3A_919, %swap3A_920, %swap3A_921] : memref<8x36x36xf32, #tpu.memory_space<vmem>>, vector<1x36x36xf32>
    %swap3A_923 = vector.shape_cast %swap3A_922 : vector<1x36x36xf32> to vector<36x36xf32>
    %swap3A_924 = vector.shape_cast %add3A_918 : vector<36x36xf32> to vector<1x36x36xf32>
    tpu.vector_store %arg13[%swap3A_919, %swap3A_920, %swap3A_921], %swap3A_924 {strides = array<i32>} : memref<8x36x36xf32, #tpu.memory_space<vmem>>, vector<1x36x36xf32>,
    %get3A_925 = arith.constant 216 : index
    %get3A_926 = arith.constant 216 : index
    %get3A_927 = vector.load %arg14[%get3A_925, %get3A_926] : memref<288x288xf32, #tpu.memory_space<vmem>>, vector<36x36xf32>
    %swap3A_928 = arith.constant 0 : index
    %swap3A_929 = arith.constant 0 : index
    %swap3A_930 = vector.load %arg15[%swap3A_928, %swap3A_929] : memref<36x36xf32, #tpu.memory_space<vmem>>, vector<36x36xf32>
    tpu.vector_store %arg15[%swap3A_928, %swap3A_929], %get3A_927 {strides = array<i32>} : memref<36x36xf32, #tpu.memory_space<vmem>>, vector<36x36xf32>,
    %get3A_931 = arith.constant 0 : index
    %get3A_932 = arith.constant 0 : index
    %get3A_933 = vector.load %arg15[%get3A_931, %get3A_932] : memref<36x36xf32, #tpu.memory_space<vmem>>, vector<36x36xf32>
    %get3A_934 = arith.constant 6 : index
    %get3A_935 = arith.constant 0 : index
    %get3A_936 = arith.constant 0 : index
    %get3A_937 = vector.load %arg2[%get3A_934, %get3A_935, %get3A_936] : memref<8x36x6xf32, #tpu.memory_space<vmem>>, vector<1x36x6xf32>
    %get3A_938 = vector.shape_cast %get3A_937 : vector<1x36x6xf32> to vector<36x6xf32>
    %slice3A_939 = vector.extract_strided_slice %get3A_938 {offsets = [0, 0], sizes = [36, 1], strides = [1, 1]} : vector<36x6xf32> to vector<36x1xf32>
    %slice3A_940 = vector.extract_strided_slice %get3A_938 {offsets = [0, 1], sizes = [36, 1], strides = [1, 1]} : vector<36x6xf32> to vector<36x1xf32>
    %slice3A_941 = vector.extract_strided_slice %get3A_938 {offsets = [0, 2], sizes = [36, 1], strides = [1, 1]} : vector<36x6xf32> to vector<36x1xf32>
    %slice3A_942 = vector.extract_strided_slice %get3A_938 {offsets = [0, 3], sizes = [36, 1], strides = [1, 1]} : vector<36x6xf32> to vector<36x1xf32>
    %sub3A_943 = arith.subf %slice3A_941, %slice3A_939 : vector<36x1xf32>
    %sub3A_944 = arith.subf %slice3A_942, %slice3A_940 : vector<36x1xf32>
    %mul3A_945 = arith.mulf %sub3A_943, %sub3A_944 : vector<36x1xf32>
    %transpose3A_946 = tpu.transpose %slice3A_939, [1, 0] : vector<36x1xf32> -> vector<1x36xf32>
    %broadcast_in_dim3A_947 = vector.shape_cast %transpose3A_946 : vector<1x36xf32> to vector<1x36xf32>
    %broadcast_in_dim3A_948 = vector.broadcast %broadcast_in_dim3A_947 : vector<1x36xf32> to vector<36x36xf32>
    %broadcast_in_dim3A_949 = vector.shape_cast %slice3A_939 : vector<36x1xf32> to vector<36x1xf32>
    %broadcast_in_dim3A_950 = vector.broadcast %broadcast_in_dim3A_949 : vector<36x1xf32> to vector<36x36xf32>
    %max3A_951 = arith.maximumf %broadcast_in_dim3A_948, %broadcast_in_dim3A_950 : vector<36x36xf32>
    %transpose3A_952 = tpu.transpose %slice3A_940, [1, 0] : vector<36x1xf32> -> vector<1x36xf32>
    %broadcast_in_dim3A_953 = vector.shape_cast %transpose3A_952 : vector<1x36xf32> to vector<1x36xf32>
    %broadcast_in_dim3A_954 = vector.broadcast %broadcast_in_dim3A_953 : vector<1x36xf32> to vector<36x36xf32>
    %broadcast_in_dim3A_955 = vector.shape_cast %slice3A_940 : vector<36x1xf32> to vector<36x1xf32>
    %broadcast_in_dim3A_956 = vector.broadcast %broadcast_in_dim3A_955 : vector<36x1xf32> to vector<36x36xf32>
    %max3A_957 = arith.maximumf %broadcast_in_dim3A_954, %broadcast_in_dim3A_956 : vector<36x36xf32>
    %transpose3A_958 = tpu.transpose %slice3A_941, [1, 0] : vector<36x1xf32> -> vector<1x36xf32>
    %broadcast_in_dim3A_959 = vector.shape_cast %transpose3A_958 : vector<1x36xf32> to vector<1x36xf32>
    %broadcast_in_dim3A_960 = vector.broadcast %broadcast_in_dim3A_959 : vector<1x36xf32> to vector<36x36xf32>
    %broadcast_in_dim3A_961 = vector.shape_cast %slice3A_941 : vector<36x1xf32> to vector<36x1xf32>
    %broadcast_in_dim3A_962 = vector.broadcast %broadcast_in_dim3A_961 : vector<36x1xf32> to vector<36x36xf32>
    %min3A_963 = arith.minimumf %broadcast_in_dim3A_960, %broadcast_in_dim3A_962 : vector<36x36xf32>
    %transpose3A_964 = tpu.transpose %slice3A_942, [1, 0] : vector<36x1xf32> -> vector<1x36xf32>
    %broadcast_in_dim3A_965 = vector.shape_cast %transpose3A_964 : vector<1x36xf32> to vector<1x36xf32>
    %broadcast_in_dim3A_966 = vector.broadcast %broadcast_in_dim3A_965 : vector<1x36xf32> to vector<36x36xf32>
    %broadcast_in_dim3A_967 = vector.shape_cast %slice3A_942 : vector<36x1xf32> to vector<36x1xf32>
    %broadcast_in_dim3A_968 = vector.broadcast %broadcast_in_dim3A_967 : vector<36x1xf32> to vector<36x36xf32>
    %min3A_969 = arith.minimumf %broadcast_in_dim3A_966, %broadcast_in_dim3A_968 : vector<36x36xf32>
    %sub3A_970 = arith.subf %min3A_963, %max3A_951 : vector<36x36xf32>
    %max3A_971 = arith.constant 0.000000e+00 : f32
    %max3A_972 = vector.broadcast %max3A_971 : f32 to vector<36x36xf32>
    %max3A_973 = arith.maximumf %max3A_972, %sub3A_970 : vector<36x36xf32>
    %sub3A_974 = arith.subf %min3A_969, %max3A_957 : vector<36x36xf32>
    %max3A_975 = arith.constant 0.000000e+00 : f32
    %max3A_976 = vector.broadcast %max3A_975 : f32 to vector<36x36xf32>
    %max3A_977 = arith.maximumf %max3A_976, %sub3A_974 : vector<36x36xf32>
    %mul3A_978 = arith.mulf %max3A_973, %max3A_977 : vector<36x36xf32>
    %broadcast_in_dim3A_979 = vector.shape_cast %mul3A_945 : vector<36x1xf32> to vector<36x1xf32>
    %broadcast_in_dim3A_980 = vector.broadcast %broadcast_in_dim3A_979 : vector<36x1xf32> to vector<36x36xf32>
    %transpose3A_981 = tpu.transpose %mul3A_945, [1, 0] : vector<36x1xf32> -> vector<1x36xf32>
    %broadcast_in_dim3A_982 = vector.shape_cast %transpose3A_981 : vector<1x36xf32> to vector<1x36xf32>
    %broadcast_in_dim3A_983 = vector.broadcast %broadcast_in_dim3A_982 : vector<1x36xf32> to vector<36x36xf32>
    %add3A_984 = arith.addf %broadcast_in_dim3A_980, %broadcast_in_dim3A_983 : vector<36x36xf32>
    %sub3A_985 = arith.subf %add3A_984, %mul3A_978 : vector<36x36xf32>
    %div3A_986 = arith.divf %mul3A_978, %sub3A_985 : vector<36x36xf32>
    %div3A_987 = arith.divf %mul3A_978, %broadcast_in_dim3A_983 : vector<36x36xf32>
    %div3A_988 = arith.divf %mul3A_978, %broadcast_in_dim3A_980 : vector<36x36xf32>
    %get3A_989 = arith.constant 0 : index
    %get3A_990 = arith.constant 0 : index
    %get3A_991 = vector.load %arg7[%get3A_989, %get3A_990] : memref<100x6xf32, #tpu.memory_space<vmem>>, vector<100x6xf32>
    %dot_general3A_992 = arith.constant dense<0.000000e+00> : vector<36x100xf32>
    %dot_general3A_993 = tpu.matmul %get3A_938, %get3A_991, %dot_general3A_992 {dimension_numbers = #tpu.dot_dimension_numbers<[1], [1], [0], [0], [0, 0, 1, 0], [], []>, transpose_lhs_hint = false} : vector<36x6xf32>, vector<100x6xf32>, vector<36x100xf32> -> vector<36x100xf32>
    %get3A_994 = arith.constant 0 : index
    %get3A_995 = arith.constant 0 : index
    %get3A_996 = vector.load %arg8[%get3A_994, %get3A_995] : memref<100x6xf32, #tpu.memory_space<vmem>>, vector<100x6xf32>
    %dot_general3A_997 = arith.constant dense<0.000000e+00> : vector<36x100xf32>
    %dot_general3A_998 = tpu.matmul %get3A_938, %get3A_996, %dot_general3A_997 {dimension_numbers = #tpu.dot_dimension_numbers<[1], [1], [0], [0], [0, 0, 1, 0], [], []>, transpose_lhs_hint = false} : vector<36x6xf32>, vector<100x6xf32>, vector<36x100xf32> -> vector<36x100xf32>
    %get3A_999 = arith.constant 6 : index
    %get3A_1000 = arith.constant 0 : index
    %get3A_1001 = vector.load %arg4[%get3A_999, %get3A_1000] : memref<8x1xf32, #tpu.memory_space<vmem>>, vector<1x1xf32>
    %mul3A_1002 = vector.broadcast %get3A_1001 : vector<1x1xf32> to vector<1x100xf32>
    %mul3A_1003 = arith.mulf %mul3A_1002, %get3A_115 : vector<1x100xf32>
    %add3A_1004 = vector.broadcast %mul3A_1003 : vector<1x100xf32> to vector<36x100xf32>
    %add3A_1005 = arith.addf %dot_general3A_993, %add3A_1004 : vector<36x100xf32>
    %add3A_1006 = vector.broadcast %get3A_130 : vector<1x100xf32> to vector<36x100xf32>
    %add3A_1007 = arith.addf %add3A_1005, %add3A_1006 : vector<36x100xf32>
    %broadcast_in_dim3A_1008 = vector.shape_cast %get3A_933 : vector<36x36xf32> to vector<36x36x1xf32>
    %broadcast_in_dim3A_1009 = vector.shape_cast %get3A_118 : vector<1x100xf32> to vector<1x1x100xf32>
    %mul3A_1010 = vector.broadcast %broadcast_in_dim3A_1008 : vector<36x36x1xf32> to vector<36x36x100xf32>
    %mul3A_1011 = vector.broadcast %broadcast_in_dim3A_1009 : vector<1x1x100xf32> to vector<36x36x100xf32>
    %mul3A_1012 = arith.mulf %mul3A_1010, %mul3A_1011 : vector<36x36x100xf32>
    %broadcast_in_dim3A_1013 = vector.shape_cast %div3A_986 : vector<36x36xf32> to vector<36x36x1xf32>
    %broadcast_in_dim3A_1014 = vector.shape_cast %get3A_121 : vector<1x100xf32> to vector<1x1x100xf32>
    %mul3A_1015 = vector.broadcast %broadcast_in_dim3A_1013 : vector<36x36x1xf32> to vector<36x36x100xf32>
    %mul3A_1016 = vector.broadcast %broadcast_in_dim3A_1014 : vector<1x1x100xf32> to vector<36x36x100xf32>
    %mul3A_1017 = arith.mulf %mul3A_1015, %mul3A_1016 : vector<36x36x100xf32>
    %add3A_1018 = arith.addf %mul3A_1012, %mul3A_1017 : vector<36x36x100xf32>
    %broadcast_in_dim3A_1019 = vector.shape_cast %div3A_987 : vector<36x36xf32> to vector<36x36x1xf32>
    %broadcast_in_dim3A_1020 = vector.shape_cast %get3A_124 : vector<1x100xf32> to vector<1x1x100xf32>
    %mul3A_1021 = vector.broadcast %broadcast_in_dim3A_1019 : vector<36x36x1xf32> to vector<36x36x100xf32>
    %mul3A_1022 = vector.broadcast %broadcast_in_dim3A_1020 : vector<1x1x100xf32> to vector<36x36x100xf32>
    %mul3A_1023 = arith.mulf %mul3A_1021, %mul3A_1022 : vector<36x36x100xf32>
    %add3A_1024 = arith.addf %add3A_1018, %mul3A_1023 : vector<36x36x100xf32>
    %broadcast_in_dim3A_1025 = vector.shape_cast %div3A_988 : vector<36x36xf32> to vector<36x36x1xf32>
    %broadcast_in_dim3A_1026 = vector.shape_cast %get3A_127 : vector<1x100xf32> to vector<1x1x100xf32>
    %mul3A_1027 = vector.broadcast %broadcast_in_dim3A_1025 : vector<36x36x1xf32> to vector<36x36x100xf32>
    %mul3A_1028 = vector.broadcast %broadcast_in_dim3A_1026 : vector<1x1x100xf32> to vector<36x36x100xf32>
    %mul3A_1029 = arith.mulf %mul3A_1027, %mul3A_1028 : vector<36x36x100xf32>
    %add3A_1030 = arith.addf %add3A_1024, %mul3A_1029 : vector<36x36x100xf32>
    %broadcast_in_dim3A_1031 = vector.shape_cast %add3A_1007 : vector<36x100xf32> to vector<1x36x100xf32>
    %add3A_1032 = vector.broadcast %broadcast_in_dim3A_1031 : vector<1x36x100xf32> to vector<36x36x100xf32>
    %add3A_1033 = arith.addf %add3A_1030, %add3A_1032 : vector<36x36x100xf32>
    %broadcast_in_dim3A_1034 = vector.shape_cast %dot_general3A_998 : vector<36x100xf32> to vector<36x1x100xf32>
    %add3A_1035 = vector.broadcast %broadcast_in_dim3A_1034 : vector<36x1x100xf32> to vector<36x36x100xf32>
    %add3A_1036 = arith.addf %add3A_1033, %add3A_1035 : vector<36x36x100xf32>
    %jit3A_1037 = arith.constant 0.00999999977 : f32
    %ge3A_1038 = arith.constant 0.000000e+00 : f32
    %ge3A_1039 = vector.broadcast %ge3A_1038 : f32 to vector<36x36x100xf32>
    %ge3A_1040 = arith.cmpf oge, %add3A_1036, %ge3A_1039 : vector<36x36x100xf32>
    %mul3A_1041 = vector.broadcast %jit3A_1037 : f32 to vector<36x36x100xf32>
    %mul3A_1042 = arith.mulf %mul3A_1041, %add3A_1036 : vector<36x36x100xf32>
    %select_n3A_1043 = arith.select %ge3A_1040, %add3A_1036, %mul3A_1042 : vector<36x36x100xi1>, vector<36x36x100xf32>
    %broadcast_in_dim3A_1044 = vector.shape_cast %get3A_133 : vector<1x100xf32> to vector<1x1x100xf32>
    %mul3A_1045 = vector.broadcast %broadcast_in_dim3A_1044 : vector<1x1x100xf32> to vector<36x36x100xf32>
    %mul3A_1046 = arith.mulf %select_n3A_1043, %mul3A_1045 : vector<36x36x100xf32>
    %reduce_sum3A_1047 = arith.constant dense<0.000000e+00> : vector<36x36xf32>
    %reduce_sum3A_1048 = vector.multi_reduction <add>, %mul3A_1046, %reduce_sum3A_1047 [2] : vector<36x36x100xf32> to vector<36x36xf32>
    %add3A_1049 = vector.broadcast %get3A_135 : f32 to vector<36x36xf32>
    %add3A_1050 = arith.addf %reduce_sum3A_1048, %add3A_1049 : vector<36x36xf32>
    %swap3A_1051 = arith.constant 6 : index
    %swap3A_1052 = arith.constant 0 : index
    %swap3A_1053 = arith.constant 0 : index
    %swap3A_1054 = vector.load %arg13[%swap3A_1051, %swap3A_1052, %swap3A_1053] : memref<8x36x36xf32, #tpu.memory_space<vmem>>, vector<1x36x36xf32>
    %swap3A_1055 = vector.shape_cast %swap3A_1054 : vector<1x36x36xf32> to vector<36x36xf32>
    %swap3A_1056 = vector.shape_cast %add3A_1050 : vector<36x36xf32> to vector<1x36x36xf32>
    tpu.vector_store %arg13[%swap3A_1051, %swap3A_1052, %swap3A_1053], %swap3A_1056 {strides = array<i32>} : memref<8x36x36xf32, #tpu.memory_space<vmem>>, vector<1x36x36xf32>,
    %get3A_1057 = arith.constant 252 : index
    %get3A_1058 = arith.constant 252 : index
    %get3A_1059 = vector.load %arg14[%get3A_1057, %get3A_1058] : memref<288x288xf32, #tpu.memory_space<vmem>>, vector<36x36xf32>
    %swap3A_1060 = arith.constant 0 : index
    %swap3A_1061 = arith.constant 0 : index
    %swap3A_1062 = vector.load %arg15[%swap3A_1060, %swap3A_1061] : memref<36x36xf32, #tpu.memory_space<vmem>>, vector<36x36xf32>
    tpu.vector_store %arg15[%swap3A_1060, %swap3A_1061], %get3A_1059 {strides = array<i32>} : memref<36x36xf32, #tpu.memory_space<vmem>>, vector<36x36xf32>,
    %get3A_1063 = arith.constant 0 : index
    %get3A_1064 = arith.constant 0 : index
    %get3A_1065 = vector.load %arg15[%get3A_1063, %get3A_1064] : memref<36x36xf32, #tpu.memory_space<vmem>>, vector<36x36xf32>
    %get3A_1066 = arith.constant 7 : index
    %get3A_1067 = arith.constant 0 : index
    %get3A_1068 = arith.constant 0 : index
    %get3A_1069 = vector.load %arg2[%get3A_1066, %get3A_1067, %get3A_1068] : memref<8x36x6xf32, #tpu.memory_space<vmem>>, vector<1x36x6xf32>
    %get3A_1070 = vector.shape_cast %get3A_1069 : vector<1x36x6xf32> to vector<36x6xf32>
    %slice3A_1071 = vector.extract_strided_slice %get3A_1070 {offsets = [0, 0], sizes = [36, 1], strides = [1, 1]} : vector<36x6xf32> to vector<36x1xf32>
    %slice3A_1072 = vector.extract_strided_slice %get3A_1070 {offsets = [0, 1], sizes = [36, 1], strides = [1, 1]} : vector<36x6xf32> to vector<36x1xf32>
    %slice3A_1073 = vector.extract_strided_slice %get3A_1070 {offsets = [0, 2], sizes = [36, 1], strides = [1, 1]} : vector<36x6xf32> to vector<36x1xf32>
    %slice3A_1074 = vector.extract_strided_slice %get3A_1070 {offsets = [0, 3], sizes = [36, 1], strides = [1, 1]} : vector<36x6xf32> to vector<36x1xf32>
    %sub3A_1075 = arith.subf %slice3A_1073, %slice3A_1071 : vector<36x1xf32>
    %sub3A_1076 = arith.subf %slice3A_1074, %slice3A_1072 : vector<36x1xf32>
    %mul3A_1077 = arith.mulf %sub3A_1075, %sub3A_1076 : vector<36x1xf32>
    %transpose3A_1078 = tpu.transpose %slice3A_1071, [1, 0] : vector<36x1xf32> -> vector<1x36xf32>
    %broadcast_in_dim3A_1079 = vector.shape_cast %transpose3A_1078 : vector<1x36xf32> to vector<1x36xf32>
    %broadcast_in_dim3A_1080 = vector.broadcast %broadcast_in_dim3A_1079 : vector<1x36xf32> to vector<36x36xf32>
    %broadcast_in_dim3A_1081 = vector.shape_cast %slice3A_1071 : vector<36x1xf32> to vector<36x1xf32>
    %broadcast_in_dim3A_1082 = vector.broadcast %broadcast_in_dim3A_1081 : vector<36x1xf32> to vector<36x36xf32>
    %max3A_1083 = arith.maximumf %broadcast_in_dim3A_1080, %broadcast_in_dim3A_1082 : vector<36x36xf32>
    %transpose3A_1084 = tpu.transpose %slice3A_1072, [1, 0] : vector<36x1xf32> -> vector<1x36xf32>
    %broadcast_in_dim3A_1085 = vector.shape_cast %transpose3A_1084 : vector<1x36xf32> to vector<1x36xf32>
    %broadcast_in_dim3A_1086 = vector.broadcast %broadcast_in_dim3A_1085 : vector<1x36xf32> to vector<36x36xf32>
    %broadcast_in_dim3A_1087 = vector.shape_cast %slice3A_1072 : vector<36x1xf32> to vector<36x1xf32>
    %broadcast_in_dim3A_1088 = vector.broadcast %broadcast_in_dim3A_1087 : vector<36x1xf32> to vector<36x36xf32>
    %max3A_1089 = arith.maximumf %broadcast_in_dim3A_1086, %broadcast_in_dim3A_1088 : vector<36x36xf32>
    %transpose3A_1090 = tpu.transpose %slice3A_1073, [1, 0] : vector<36x1xf32> -> vector<1x36xf32>
    %broadcast_in_dim3A_1091 = vector.shape_cast %transpose3A_1090 : vector<1x36xf32> to vector<1x36xf32>
    %broadcast_in_dim3A_1092 = vector.broadcast %broadcast_in_dim3A_1091 : vector<1x36xf32> to vector<36x36xf32>
    %broadcast_in_dim3A_1093 = vector.shape_cast %slice3A_1073 : vector<36x1xf32> to vector<36x1xf32>
    %broadcast_in_dim3A_1094 = vector.broadcast %broadcast_in_dim3A_1093 : vector<36x1xf32> to vector<36x36xf32>
    %min3A_1095 = arith.minimumf %broadcast_in_dim3A_1092, %broadcast_in_dim3A_1094 : vector<36x36xf32>
    %transpose3A_1096 = tpu.transpose %slice3A_1074, [1, 0] : vector<36x1xf32> -> vector<1x36xf32>
    %broadcast_in_dim3A_1097 = vector.shape_cast %transpose3A_1096 : vector<1x36xf32> to vector<1x36xf32>
    %broadcast_in_dim3A_1098 = vector.broadcast %broadcast_in_dim3A_1097 : vector<1x36xf32> to vector<36x36xf32>
    %broadcast_in_dim3A_1099 = vector.shape_cast %slice3A_1074 : vector<36x1xf32> to vector<36x1xf32>
    %broadcast_in_dim3A_1100 = vector.broadcast %broadcast_in_dim3A_1099 : vector<36x1xf32> to vector<36x36xf32>
    %min3A_1101 = arith.minimumf %broadcast_in_dim3A_1098, %broadcast_in_dim3A_1100 : vector<36x36xf32>
    %sub3A_1102 = arith.subf %min3A_1095, %max3A_1083 : vector<36x36xf32>
    %max3A_1103 = arith.constant 0.000000e+00 : f32
    %max3A_1104 = vector.broadcast %max3A_1103 : f32 to vector<36x36xf32>
    %max3A_1105 = arith.maximumf %max3A_1104, %sub3A_1102 : vector<36x36xf32>
    %sub3A_1106 = arith.subf %min3A_1101, %max3A_1089 : vector<36x36xf32>
    %max3A_1107 = arith.constant 0.000000e+00 : f32
    %max3A_1108 = vector.broadcast %max3A_1107 : f32 to vector<36x36xf32>
    %max3A_1109 = arith.maximumf %max3A_1108, %sub3A_1106 : vector<36x36xf32>
    %mul3A_1110 = arith.mulf %max3A_1105, %max3A_1109 : vector<36x36xf32>
    %broadcast_in_dim3A_1111 = vector.shape_cast %mul3A_1077 : vector<36x1xf32> to vector<36x1xf32>
    %broadcast_in_dim3A_1112 = vector.broadcast %broadcast_in_dim3A_1111 : vector<36x1xf32> to vector<36x36xf32>
    %transpose3A_1113 = tpu.transpose %mul3A_1077, [1, 0] : vector<36x1xf32> -> vector<1x36xf32>
    %broadcast_in_dim3A_1114 = vector.shape_cast %transpose3A_1113 : vector<1x36xf32> to vector<1x36xf32>
    %broadcast_in_dim3A_1115 = vector.broadcast %broadcast_in_dim3A_1114 : vector<1x36xf32> to vector<36x36xf32>
    %add3A_1116 = arith.addf %broadcast_in_dim3A_1112, %broadcast_in_dim3A_1115 : vector<36x36xf32>
    %sub3A_1117 = arith.subf %add3A_1116, %mul3A_1110 : vector<36x36xf32>
    %div3A_1118 = arith.divf %mul3A_1110, %sub3A_1117 : vector<36x36xf32>
    %div3A_1119 = arith.divf %mul3A_1110, %broadcast_in_dim3A_1115 : vector<36x36xf32>
    %div3A_1120 = arith.divf %mul3A_1110, %broadcast_in_dim3A_1112 : vector<36x36xf32>
    %get3A_1121 = arith.constant 0 : index
    %get3A_1122 = arith.constant 0 : index
    %get3A_1123 = vector.load %arg7[%get3A_1121, %get3A_1122] : memref<100x6xf32, #tpu.memory_space<vmem>>, vector<100x6xf32>
    %dot_general3A_1124 = arith.constant dense<0.000000e+00> : vector<36x100xf32>
    %dot_general3A_1125 = tpu.matmul %get3A_1070, %get3A_1123, %dot_general3A_1124 {dimension_numbers = #tpu.dot_dimension_numbers<[1], [1], [0], [0], [0, 0, 1, 0], [], []>, transpose_lhs_hint = false} : vector<36x6xf32>, vector<100x6xf32>, vector<36x100xf32> -> vector<36x100xf32>
    %get3A_1126 = arith.constant 0 : index
    %get3A_1127 = arith.constant 0 : index
    %get3A_1128 = vector.load %arg8[%get3A_1126, %get3A_1127] : memref<100x6xf32, #tpu.memory_space<vmem>>, vector<100x6xf32>
    %dot_general3A_1129 = arith.constant dense<0.000000e+00> : vector<36x100xf32>
    %dot_general3A_1130 = tpu.matmul %get3A_1070, %get3A_1128, %dot_general3A_1129 {dimension_numbers = #tpu.dot_dimension_numbers<[1], [1], [0], [0], [0, 0, 1, 0], [], []>, transpose_lhs_hint = false} : vector<36x6xf32>, vector<100x6xf32>, vector<36x100xf32> -> vector<36x100xf32>
    %get3A_1131 = arith.constant 7 : index
    %get3A_1132 = arith.constant 0 : index
    %get3A_1133 = vector.load %arg4[%get3A_1131, %get3A_1132] : memref<8x1xf32, #tpu.memory_space<vmem>>, vector<1x1xf32>
    %mul3A_1134 = vector.broadcast %get3A_1133 : vector<1x1xf32> to vector<1x100xf32>
    %mul3A_1135 = arith.mulf %mul3A_1134, %get3A_115 : vector<1x100xf32>
    %add3A_1136 = vector.broadcast %mul3A_1135 : vector<1x100xf32> to vector<36x100xf32>
    %add3A_1137 = arith.addf %dot_general3A_1125, %add3A_1136 : vector<36x100xf32>
    %add3A_1138 = vector.broadcast %get3A_130 : vector<1x100xf32> to vector<36x100xf32>
    %add3A_1139 = arith.addf %add3A_1137, %add3A_1138 : vector<36x100xf32>
    %broadcast_in_dim3A_1140 = vector.shape_cast %get3A_1065 : vector<36x36xf32> to vector<36x36x1xf32>
    %broadcast_in_dim3A_1141 = vector.shape_cast %get3A_118 : vector<1x100xf32> to vector<1x1x100xf32>
    %mul3A_1142 = vector.broadcast %broadcast_in_dim3A_1140 : vector<36x36x1xf32> to vector<36x36x100xf32>
    %mul3A_1143 = vector.broadcast %broadcast_in_dim3A_1141 : vector<1x1x100xf32> to vector<36x36x100xf32>
    %mul3A_1144 = arith.mulf %mul3A_1142, %mul3A_1143 : vector<36x36x100xf32>
    %broadcast_in_dim3A_1145 = vector.shape_cast %div3A_1118 : vector<36x36xf32> to vector<36x36x1xf32>
    %broadcast_in_dim3A_1146 = vector.shape_cast %get3A_121 : vector<1x100xf32> to vector<1x1x100xf32>
    %mul3A_1147 = vector.broadcast %broadcast_in_dim3A_1145 : vector<36x36x1xf32> to vector<36x36x100xf32>
    %mul3A_1148 = vector.broadcast %broadcast_in_dim3A_1146 : vector<1x1x100xf32> to vector<36x36x100xf32>
    %mul3A_1149 = arith.mulf %mul3A_1147, %mul3A_1148 : vector<36x36x100xf32>
    %add3A_1150 = arith.addf %mul3A_1144, %mul3A_1149 : vector<36x36x100xf32>
    %broadcast_in_dim3A_1151 = vector.shape_cast %div3A_1119 : vector<36x36xf32> to vector<36x36x1xf32>
    %broadcast_in_dim3A_1152 = vector.shape_cast %get3A_124 : vector<1x100xf32> to vector<1x1x100xf32>
    %mul3A_1153 = vector.broadcast %broadcast_in_dim3A_1151 : vector<36x36x1xf32> to vector<36x36x100xf32>
    %mul3A_1154 = vector.broadcast %broadcast_in_dim3A_1152 : vector<1x1x100xf32> to vector<36x36x100xf32>
    %mul3A_1155 = arith.mulf %mul3A_1153, %mul3A_1154 : vector<36x36x100xf32>
    %add3A_1156 = arith.addf %add3A_1150, %mul3A_1155 : vector<36x36x100xf32>
    %broadcast_in_dim3A_1157 = vector.shape_cast %div3A_1120 : vector<36x36xf32> to vector<36x36x1xf32>
    %broadcast_in_dim3A_1158 = vector.shape_cast %get3A_127 : vector<1x100xf32> to vector<1x1x100xf32>
    %mul3A_1159 = vector.broadcast %broadcast_in_dim3A_1157 : vector<36x36x1xf32> to vector<36x36x100xf32>
    %mul3A_1160 = vector.broadcast %broadcast_in_dim3A_1158 : vector<1x1x100xf32> to vector<36x36x100xf32>
    %mul3A_1161 = arith.mulf %mul3A_1159, %mul3A_1160 : vector<36x36x100xf32>
    %add3A_1162 = arith.addf %add3A_1156, %mul3A_1161 : vector<36x36x100xf32>
    %broadcast_in_dim3A_1163 = vector.shape_cast %add3A_1139 : vector<36x100xf32> to vector<1x36x100xf32>
    %add3A_1164 = vector.broadcast %broadcast_in_dim3A_1163 : vector<1x36x100xf32> to vector<36x36x100xf32>
    %add3A_1165 = arith.addf %add3A_1162, %add3A_1164 : vector<36x36x100xf32>
    %broadcast_in_dim3A_1166 = vector.shape_cast %dot_general3A_1130 : vector<36x100xf32> to vector<36x1x100xf32>
    %add3A_1167 = vector.broadcast %broadcast_in_dim3A_1166 : vector<36x1x100xf32> to vector<36x36x100xf32>
    %add3A_1168 = arith.addf %add3A_1165, %add3A_1167 : vector<36x36x100xf32>
    %jit3A_1169 = arith.constant 0.00999999977 : f32
    %ge3A_1170 = arith.constant 0.000000e+00 : f32
    %ge3A_1171 = vector.broadcast %ge3A_1170 : f32 to vector<36x36x100xf32>
    %ge3A_1172 = arith.cmpf oge, %add3A_1168, %ge3A_1171 : vector<36x36x100xf32>
    %mul3A_1173 = vector.broadcast %jit3A_1169 : f32 to vector<36x36x100xf32>
    %mul3A_1174 = arith.mulf %mul3A_1173, %add3A_1168 : vector<36x36x100xf32>
    %select_n3A_1175 = arith.select %ge3A_1172, %add3A_1168, %mul3A_1174 : vector<36x36x100xi1>, vector<36x36x100xf32>
    %broadcast_in_dim3A_1176 = vector.shape_cast %get3A_133 : vector<1x100xf32> to vector<1x1x100xf32>
    %mul3A_1177 = vector.broadcast %broadcast_in_dim3A_1176 : vector<1x1x100xf32> to vector<36x36x100xf32>
    %mul3A_1178 = arith.mulf %select_n3A_1175, %mul3A_1177 : vector<36x36x100xf32>
    %reduce_sum3A_1179 = arith.constant dense<0.000000e+00> : vector<36x36xf32>
    %reduce_sum3A_1180 = vector.multi_reduction <add>, %mul3A_1178, %reduce_sum3A_1179 [2] : vector<36x36x100xf32> to vector<36x36xf32>
    %add3A_1181 = vector.broadcast %get3A_135 : f32 to vector<36x36xf32>
    %add3A_1182 = arith.addf %reduce_sum3A_1180, %add3A_1181 : vector<36x36xf32>
    %swap3A_1183 = arith.constant 7 : index
    %swap3A_1184 = arith.constant 0 : index
    %swap3A_1185 = arith.constant 0 : index
    %swap3A_1186 = vector.load %arg13[%swap3A_1183, %swap3A_1184, %swap3A_1185] : memref<8x36x36xf32, #tpu.memory_space<vmem>>, vector<1x36x36xf32>
    %swap3A_1187 = vector.shape_cast %swap3A_1186 : vector<1x36x36xf32> to vector<36x36xf32>
    %swap3A_1188 = vector.shape_cast %add3A_1182 : vector<36x36xf32> to vector<1x36x36xf32>
    tpu.vector_store %arg13[%swap3A_1183, %swap3A_1184, %swap3A_1185], %swap3A_1188 {strides = array<i32>} : memref<8x36x36xf32, #tpu.memory_space<vmem>>, vector<1x36x36xf32>,
    return
  }
  func.func @transform_0(%arg0: i32) -> (i32, i32, i32) {
    %c0_i32 = arith.constant 0 : i32
    %c0_i32_0 = arith.constant 0 : i32
    %c0_i32_1 = arith.constant 0 : i32
    return %arg0, %c0_i32, %c0_i32_0 : i32, i32, i32
  }
  func.func @transform_1(%arg0: i32) -> (i32, i32, i32) {
    %c0_i32 = arith.constant 0 : i32
    %c0_i32_0 = arith.constant 0 : i32
    %c0_i32_1 = arith.constant 0 : i32
    return %arg0, %c0_i32, %c0_i32_0 : i32, i32, i32
  }
  func.func @transform_2(%arg0: i32) -> (i32, i32) {
    %c0_i32 = arith.constant 0 : i32
    %c0_i32_0 = arith.constant 0 : i32
    return %arg0, %c0_i32 : i32, i32
  }
  func.func @transform_3(%arg0: i32) -> (i32, i32) {
    %c0_i32 = arith.constant 0 : i32
    %c0_i32_0 = arith.constant 0 : i32
    return %arg0, %c0_i32 : i32, i32
  }
  func.func @transform_4(%arg0: i32) -> (i32, i32) {
    %c0_i32 = arith.constant 0 : i32
    %c0_i32_0 = arith.constant 0 : i32
    %c0_i32_1 = arith.constant 0 : i32
    return %c0_i32, %c0_i32_0 : i32, i32
  }
  func.func @transform_5(%arg0: i32) -> (i32, i32) {
    %c0_i32 = arith.constant 0 : i32
    %c0_i32_0 = arith.constant 0 : i32
    %c0_i32_1 = arith.constant 0 : i32
    return %c0_i32, %c0_i32_0 : i32, i32
  }
  func.func @transform_6(%arg0: i32) -> (i32, i32) {
    %c0_i32 = arith.constant 0 : i32
    %c0_i32_0 = arith.constant 0 : i32
    %c0_i32_1 = arith.constant 0 : i32
    return %c0_i32, %c0_i32_0 : i32, i32
  }
  func.func @transform_7(%arg0: i32) -> (i32, i32) {
    %c0_i32 = arith.constant 0 : i32
    %c0_i32_0 = arith.constant 0 : i32
    %c0_i32_1 = arith.constant 0 : i32
    return %c0_i32, %c0_i32_0 : i32, i32
  }
  func.func @transform_8(%arg0: i32) -> (i32, i32) {
    %c0_i32 = arith.constant 0 : i32
    %c0_i32_0 = arith.constant 0 : i32
    %c0_i32_1 = arith.constant 0 : i32
    return %c0_i32, %c0_i32_0 : i32, i32
  }
  func.func @transform_9(%arg0: i32) -> i32 {
    %c0_i32 = arith.constant 0 : i32
    %c0_i32_0 = arith.constant 0 : i32
    return %c0_i32 : i32
  }
  func.func @transform_10(%arg0: i32) -> i32 {
    %c0_i32 = arith.constant 0 : i32
    %c0_i32_0 = arith.constant 0 : i32
    return %c0_i32 : i32
  }
  func.func @transform_11(%arg0: i32) -> (i32, i32) {
    %c0_i32 = arith.constant 0 : i32
    %c0_i32_0 = arith.constant 0 : i32
    return %arg0, %c0_i32 : i32, i32
  }
  func.func @transform_12(%arg0: i32) -> (i32, i32, i32) {
    %c0_i32 = arith.constant 0 : i32
    %c0_i32_0 = arith.constant 0 : i32
    %c0_i32_1 = arith.constant 0 : i32
    return %arg0, %c0_i32, %c0_i32_0 : i32, i32, i32
  }
}

</mosaic_0001>

<sc_bundles>
// kernel: kernel.6.cloned.1.call-start
scs
__scs_entry_jumppad:
0x0: {  	(pc) =	sbr.rel $0x88, $3  }
0x1: {  	(tag) =	ssettag $0x0;
	lr =	simm.s32 $0x1  }
0x2: {  	[smem:$0x3F8D] =	sst lr;
	_ =	strace $0xD0000000  }
0x3: {  	_ = 	snop  }
0x4: {  	_ = 	snop  }
0x5: {  	_ = 	snop  }
0x6: {  	_ = 	snop  }
0x7: {  	_ = 	snop  }
__scs_overlays_trampoline_lowered:
0x8: {  	[smem:$0x3F9C] =	sst s0  }
0x9: {  	[smem:$0x3F9D] =	sst s1  }
0xa: {  	[smem:$0x3F9E] =	sst s2  }
0xb: {  	[smem:$0x3F9F] =	sst s3  }
0xc: {  	[smem:$0x3FA0] =	sst s4  }
0xd: {  	[smem:$0x3FA1] =	sst s5  }
0xe: {  	[smem:$0x3FA2] =	sst s6  }
0xf: {  	[smem:$0x3FA3] =	sst s7  }
0x10: {  	[smem:$0x3FA4] =	sst s8  }
0x11: {  	[smem:$0x3FA5] =	sst s9;
	s0 =	simm.s32 @!p0 $0x0  }
0x12: {  	s1 =	sld [smem:$0x3F8B];
	s0 =	simm.s32 @p0 $0x1  }
0x13: {  	[smem:$0x3FA6] =	sst s0;
	s0 =	simm.s32 @!p1 $0x0  }
0x14: {  	s2 =	sld [smem:$0x3F8A];
	s0 =	simm.s32 @p1 $0x1  }
0x15: {  	[smem:$0x3FA7] =	sst s0;
	s0 =	simm.s32 @!p2 $0x0  }
0x16: {  	s3 =	sld [smem:$0x3FDB];
	s0 =	simm.s32 @p2 $0x1  }
0x17: {  	s4 =	simm.s32 $0x1BF5;
	[smem:$0x3FA9] =	sst s0  }
0x18: {  	s0 =	sld [smem:$0x3F8C];
	_ =	swait.ge [sflag:s4], $0x0  }
0x19: {  	s7 =	sld [smem:$0x3F8D]  }
0x1a: {  	s8 =	sadd.s32 $0xFFFFE003, lr  }
0x1b: {  	s9 =	sadd.s32 $0xFFFFFEF7, lr;
	s5 =	simm.s32 $0xFFFFFFFF;
	p2 =	slt.u32 s8, $0xFFFFF086  }
0x1c: {  	p1 =	slt.u32 s9, $0xF7A;
	s5 =	simm.s32 @!p2 $0x0  }
0x1d: {  	s5 =	simm.s32 @p1 $0x1;
	p0 =	seq.s32 s7, s2  }
0x1e: {  	s7 =	smul.u32 @!p0 $0xF7A, s2;
	p2 =	seq.s32 @!p0 s5, $0x0  }
0x1f: {  	s9 =	smul.u32 $0xF7A, s1;
	s8 =	simm.s32 @!p0 $0x1BF5;
	p2 =	por !p2, p0  }
0x20: {  	[sflag:s8] =	ssyncset.s32 @!p0 $0xFFFFF086;
	s6 =	sadd.s32 @!p0 s3, s7;
	s7 =	simm.s32 @!p0 $0x108  }
0x21: {  	s3 =	sadd.s32 s3, s9;
	s6 =	sadd.s32 @!p0 $0x88, s6;
	s7 =	simm.s32 @p2 $0x1082  }
0x22: {  	[simem:s7], [sflag:s8] =	dma.local @!p0 [hbm:s6], $0xF7A  }
0x23: {  	s9 =	sor.u32 $0xD0000000, s2;
	s6 =	simm.s32 $0x108;
	_ =	swait.ge @!p0 [sflag:s8], $0x0  }
0x24: {  	s3 =	sadd.s32 $0x88, s3;
	s6 =	simm.s32 @!p1 $0x1082;
	[sflag:s4] =	ssyncset.s32 $0xFFFFF086  }
0x25: {  	[simem:s6], [sflag:s4] =	dma.local [hbm:s3], $0xF7A  }
0x26: {  	[smem:$0x3F8D] =	sst s1;
	(tag) =	ssettag s2;
	_ =	strace s9  }
0x27: {  	s1 =	sld [smem:$0x3F9D]  }
0x28: {  	s2 =	sld [smem:$0x3F9E]  }
0x29: {  	s4 =	sld [smem:$0x3FA0]  }
0x2a: {  	p0 =	seq.s32 s5, $0x0;
	s5 =	sld [smem:$0x3FA1]  }
0x2b: {  	s6 =	sld [smem:$0x3FA2]  }
0x2c: {  	s7 =	sld [smem:$0x3FA3]  }
0x2d: {  	s3 =	simm.s32 $0x108;
	s8 =	sld [smem:$0x3FA4]  }
0x2e: {  	s3 =	simm.s32 @!p0 $0x1082;
	s9 =	sld [smem:$0x3FA5]  }
0x2f: {  	lr =	sadd.s32 s0, s3;
	s0 =	sld [smem:$0x3F9C]  }
0x30: {  	s3 =	sld [smem:$0x3F9F]  }
0x31: {  	[smem:$0x3FA8] =	sst s10  }
0x32: {  	s10 =	sld [smem:$0x3FA6];
	_ =	sdelay $0x3  }
0x33: {  	p0 =	seq.s32 s10, $0x1;
	s10 =	sld [smem:$0x3FA8];
	_ =	sdelay $0x3  }
0x34: {  	[smem:$0x3FA8] =	sst s10  }
0x35: {  	s10 =	sld [smem:$0x3FA7];
	_ =	sdelay $0x3  }
0x36: {  	p1 =	seq.s32 s10, $0x1;
	s10 =	sld [smem:$0x3FA8];
	_ =	sdelay $0x3  }
0x37: {  	[smem:$0x3FA8] =	sst s10  }
0x38: {  	s10 =	sld [smem:$0x3FA9]  }
0x39: {  	_ = 	snop;
	(pc) =	sbr.ind lr, $3  }
0x3a: {  	_ = 	snop  }
0x3b: {  	_ = 	snop  }
0x3c: {  	p2 =	seq.s32 s10, $0x1;
	s10 =	sld [smem:$0x3FA8]  }
0x3d: {  	_ =	shalt  }
0x3e: {  	_ =	shalt  }
0x3f: {  	_ =	shalt  }
0x40: {  	_ =	shalt  }
0x41: {  	_ =	shalt  }
0x42: {  	_ =	shalt  }
0x43: {  	_ =	shalt  }
0x44: {  	_ =	shalt  }
0x45: {  	_ =	shalt  }
0x46: {  	_ =	shalt  }
0x47: {  	_ =	shalt  }
0x48: {  	_ =	shalt  }
0x49: {  	_ =	shalt  }
0x4a: {  	_ =	shalt  }
0x4b: {  	_ =	shalt  }
0x4c: {  	_ =	shalt  }
0x4d: {  	_ =	shalt  }
0x4e: {  	_ =	shalt  }
0x4f: {  	_ =	shalt  }
0x50: {  	_ =	shalt  }
0x51: {  	_ =	shalt  }
0x52: {  	_ =	shalt  }
0x53: {  	_ =	shalt  }
0x54: {  	_ =	shalt  }
0x55: {  	_ =	shalt  }
0x56: {  	_ =	shalt  }
0x57: {  	_ =	shalt  }
0x58: {  	_ =	shalt  }
0x59: {  	_ =	shalt  }
0x5a: {  	_ =	shalt  }
0x5b: {  	_ =	shalt  }
0x5c: {  	_ =	shalt  }
0x5d: {  	_ =	shalt  }
0x5e: {  	_ =	shalt  }
0x5f: {  	_ =	shalt  }
0x60: {  	_ =	shalt  }
0x61: {  	_ =	shalt  }
0x62: {  	_ =	shalt  }
0x63: {  	_ =	shalt  }
0x64: {  	_ =	shalt  }
0x65: {  	_ =	shalt  }
0x66: {  	_ =	shalt  }
0x67: {  	_ =	shalt  }
0x68: {  	_ =	shalt  }
0x69: {  	_ =	shalt  }
0x6a: {  	_ =	shalt  }
0x6b: {  	_ =	shalt  }
0x6c: {  	_ =	shalt  }
0x6d: {  	_ =	shalt  }
0x6e: {  	_ =	shalt  }
0x6f: {  	_ =	shalt  }
0x70: {  	_ =	shalt  }
0x71: {  	_ =	shalt  }
0x72: {  	_ =	shalt  }
0x73: {  	_ =	shalt  }
0x74: {  	_ =	shalt  }
0x75: {  	_ =	shalt  }
0x76: {  	_ =	shalt  }
0x77: {  	_ =	shalt  }
0x78: {  	_ =	shalt  }
0x79: {  	_ =	shalt  }
0x7a: {  	_ =	shalt  }
0x7b: {  	_ =	shalt  }
0x7c: {  	_ =	shalt  }
0x7d: {  	_ =	shalt  }
0x7e: {  	_ =	shalt  }
0x7f: {  	_ =	shalt  }
0x80: {  	_ =	shalt  }
0x81: {  	_ =	shalt  }
0x82: {  	_ =	shalt  }
0x83: {  	_ =	shalt  }
0x84: {  	_ =	shalt  }
0x85: {  	_ =	shalt  }
0x86: {  	_ =	shalt  }
0x87: {  	_ =	shalt  }
.Lfunc_end0:
.L_simem_size_0:
called_computation_lowered:
.L_overlay_start_0:
0x88: {  	s2 =	sld [smem:$0x3FD9]  }
0x89: {  	s3 =	sld [smem:$0x3FFE];
	_ =	sdelay $0x1  }
0x8a: {  	s1 =	srdreg.scid  }
0x8b: {  	s0 =	sand.u32 $0x1, s1  }
0x8c: {  	s14 =	sshll.u32 s0, $0xA;
	s2 =	sadd.s32 s3, s2  }
0x8d: {  	s2 =	sadd.s32 s2, s14  }
0x8e: {  	[smem:$0x3FB4] =	sst s2  }
0x8f: {  	_ = 	snop  }
0x90: {  	s2 =	sld [smem:$0x3FD0];
	_ =	sdelay $0x2  }
0x91: {  	s15 =	simm.s32 $0xA;
	s4 =	simm.s32 $0x10  }
0x92: {  	[smem:s4], [sflag:s15] =	dma.local [hbm:s2], $0x1  }
0x93: {  	_ =	swait.eq [sflag:s15], $0x1  }
0x94: {  	[sflag:s15] =	ssyncset.done $0x0  }
0x95: {  	[sflag:s15] =	ssyncadd.s32 $0xFFFFFFFF  }
0x96: {  	s16 =	sld [smem:$0x10];
	(tm) =	ssettm $0x1  }
0x97: {  	s17 =	sld [smem:$0x3FFB];
	_ =	sdelay $0x3  }
0x98: {  	_ =	strace s17  }
0x99: {  	s3 =	sld [smem:$0x3FFC];
	_ =	sdelay $0x3  }
0x9a: {  	_ =	strace s3  }
0x9b: {  	s3 =	sld [smem:$0x3FFD];
	_ =	sdelay $0x3  }
0x9c: {  	_ =	strace s3  }
0x9d: {  	_ =	strace $0x8FFFFFFF  }
0x9e: {  	s18 =	sld [smem:$0x3FDB];
	_ =	sdelay $0x1  }
0x9f: {  	s19 =	simm.s32 $_scs_section_size  }
0xa0: {  	s5 =	simm.s32 $_size__tile_overlayer_lowered;
	s6 =	simm.s32 $_tile_overlayer_lowered  }
0xa1: {  	s22 =	simm.s32 $0x1BFF;
	s21 =	sshll.u32 s6, $0x1;
	s3 =	sadd.s32 s19, s18  }
0xa2: {  	s7 =	simm.s32 $0x0;
	s20 =	sshll.u32 s5, $0x1;
	s5 =	sadd.s32 s21, s3  }
0xa3: {  	[timem:s7], [sflag:s22] =	dma.local [hbm:s5], s20  }
0xa4: {  	_ =	swait.ge [sflag:s22], s20  }
0xa5: {  	s4 =	ssub.s32 $0x0, s20;
	[sflag:s22] =	ssyncset.done $0x0  }
0xa6: {  	[sflag:s22] =	ssyncadd.s32 s4;
	_ =	sdelay $0x1  }
0xa7: {  	s23 =	simm.s32 $0x1B8B  }
0xa8: {  	_ =	swait.ge [sflag:s23], $0x1  }
0xa9: {  	[sflag:s23] =	ssyncset.done $0x0  }
0xaa: {  	s25 =	simm.s32 $0x1B8E;
	s24 =	sld [smem:$0x3FFE];
	[sflag:s23] =	ssyncadd.s32 $0xFFFFFFFF  }
0xab: {  	s26 =	simm.s32 $execute0_lowered;
	[smem:$0x3FD2] =	sst s25  }
0xac: {  	s5 =	sshll.u32 s26, $0x1;
	_ =	strace $0x80000046;
	[dreg:$0x1] =	wrdreg $0xFFFFFFFF  }
0xad: {  	s28 =	simm.s32 $_size_execute0_lowered;
	s3 =	sadd.s32 s3, s5;
	[dreg:$0x0] =	wrdreg $0x0  }
0xae: {  	s5 =	sshll.u32 s28, $0x1;
	[dreg:$0x2] =	wrdreg s3  }
0xaf: {  	[dreg:$0x3] =	wrdreg s5  }
0xb0: {  	[dreg:$0x4] =	wrdreg $0xC0  }
0xb1: {  	_ =	task [dreg:s7], $0x5FFFF  }
0xb2: {  	[dreg:$0x1] =	wrdreg $0xFFFFFFFF  }
0xb3: {  	[dreg:$0x0] =	wrdreg $0x60  }
0xb4: {  	[dreg:$0x2] =	wrdreg s24  }
0xb5: {  	[dreg:$0x3] =	wrdreg s16  }
0xb6: {  	[dreg:$0x4] =	wrdreg $0x9  }
0xb7: {  	_ =	task.clear_ibuf [dreg:s7], $0x5FFFF;
	_ =	strace $0x90000046  }
0xb8: {  	s29 =	simm.s32 $0x9;
	_ =	strace $0x80000048  }
0xb9: {  	_ =	swait.ge [sflag:s29], $0x1  }
0xba: {  	[sflag:s29] =	ssyncadd.s32 $0xFFFFFFFF  }
0xbb: {  	_ =	strace $0x90000048  }
0xbc: {  	_ =	sfence  }
0xbd: {  	s30 =	sld [smem:$0x0];
	_ =	sdelay $0x2  }
0xbe: {  	s31 =	sshll.u32 s1, $0xD;
	s1 =	sshrl.u32 s1, $0x2  }
0xbf: {  	s3 =	sand.u32 $0x4000, s31;
	s1 =	sadd.s32 s1, s30  }
0xc0: {  	s0 =	sor.u32 s3, s0;
	s1 =	sshll.u32 s1, $0x11  }
0xc1: {  	s0 =	sor.u32 s1, s0  }
0xc2: {  	s0 =	sadd.s32 $0x8F2B, s0  }
0xc3: {  	[sflag:s0] =	ssyncadd.remote.s32 $0x1  }
0xc4: {  	_ =	sfence.sel $0xFFFF  }
0xc5: {  	[dreg:$0x0] =	wrdreg $0xFFFFFFFF;
	(pc) =	sbr.abs _section_cstart, $3  }
0xc6: {  	[dreg:$0x1] =	wrdreg $0xFFFFFFFF  }
0xc7: {  	_ =	task.clear_ibuf [dreg:s7], $0x2FFFF;
	_ =	strace $0x9FFFFFFF  }
0xc8: {  	(tm) =	ssettm $0x7FFFFFFF  }
0xc9: {  	_ =	shalt  }
tec
execute0_lowered:
.L_overlay_start_1:
0x0: {  	(tag) =	ssettag $0x1  }
0x1: {  	s1 =	stileid.u32  }
0x2: {  	p0 =	sgt.u32 s1, $0x9  }
.Ltmp0:
0x3: {  	_ = 	snop;
	(pc) =	sbr.rel @p0 .LBB2_3-.Ltmp0, $4  }
0x4: {  	_ = 	snop  }
0x5: {  	s0 =	rddreg [dreg:$0x0];
	s2 =	simm.s32 $0x0  }
0x6: {  	[smem:$0x7FF] =	sst s2  }
0x7: {  	s3 =	rddreg [dreg:$0x1];
	_ =	strace $0x80000047  }
0x8: {  	s4 =	srdreg.scid;
	s1 =	stileid.u32  }
0x9: {  	s18 =	simm.s32 $0x880;
	s19 =	simm.s32 $0xC80;
	s20 =	simm.s32 $0x1480  }
0xa: {  	s21 =	simm.s32 $0x1880;
	s22 =	simm.s32 $0x2080;
	s24 =	simm.s32 $0x2480  }
0xb: {  	s25 =	simm.s32 $0x2C80;
	s26 =	simm.s32 $0x3080;
	s7 =	simm.s32 $0x80  }
0xc: {  	s9 =	simm.s32 $0x3C80;
	s10 =	simm.s32 $0x4480;
	[dreg:$0x5] =	wrdreg s18  }
0xd: {  	s11 =	simm.s32 $0x4880;
	s12 =	simm.s32 $0x5080;
	[dreg:$0x6] =	wrdreg s19  }
0xe: {  	s13 =	simm.s32 $0x5480;
	s14 =	simm.s32 $0x5C80;
	[dreg:$0x7] =	wrdreg s20  }
0xf: {  	s15 =	simm.s32 $0x6080;
	s16 =	simm.s32 $0x6880;
	[dreg:$0x8] =	wrdreg s21  }
0x10: {  	s28 =	simm.s32 $0xA880;
	s29 =	simm.s32 $0xB080;
	[dreg:$0x9] =	wrdreg s22  }
0x11: {  	s30 =	simm.s32 $0xB480;
	s31 =	simm.s32 $0xBC80;
	[dreg:$0xa] =	wrdreg s24  }
0x12: {  	s5 =	sand.u32 $0x1, s4;
	s17 =	sshll.u32 s1, $0x1;
	[dreg:$0xb] =	wrdreg s25  }
0x13: {  	[dreg:$0xc] =	wrdreg s26;
	s18 =	simm.s32 $0x7480;
	s19 =	simm.s32 $0x7880  }
0x14: {  	s20 =	simm.s32 $0x8080;
	s21 =	simm.s32 $0x8480;
	s22 =	simm.s32 $0x8C80  }
0x15: {  	s24 =	simm.s32 $0x9880;
	s25 =	simm.s32 $0x9C80;
	s26 =	simm.s32 $0xA480  }
0x16: {  	s4 =	sor.u32 s5, s17;
	s5 =	ssub.s32 $0x2, s5;
	s17 =	simm.s32 $0x6C80  }
0x17: {  	s6 =	smul.u32 $0x1800, s4;
	s4 =	sshll.u32 s4, $0x4;
	s23 =	sshrl.u32 s5, $0x1  }
0x18: {  	s3 =	sadd.s32 s3, s4;
	s4 =	sadd.s32 $0xEDD00, s0;
	s5 =	ssub.s32 s5, s23  }
0x19: {  	v2 =	vlaneseq.u32;
	s23 =	simm.s32 $0x9080;
	s6 =	sadd.s32 s6, s0;
	[dreg:$0x4] =	wrdreg s3  }
0x1a: {  	vm0 =	vmmov $0xffff;
	vm1 =	vmmov $0xff;
	v1 =	vshrl.u32 v2, $0x3;
	s3 =	sadd.s32 $0xEDC00, s0;
	s5 =	smax.u32 s5, $0x1;
	s6 =	sadd.s32 $0x3400, s6  }
0x1b: {  	v0 =	vand.u32 $0x7, v2;
	v2 =	vor.u32 $0x8, v2;
	v1 =	vmul.u32 $0x8, v1;
	s0 =	simm.s32 $0x1;
	[dreg:$0x3] =	wrdreg s6;
	s6 =	simm.s32 $0x2  }
.LBB2_2:
0x1c: {  	s1 =	rddreg [dreg:$0x4]  }
0x1d: {  	[tilespmem:s2], [sflag:$0x2] =	stream.linear.gather [hbm4b:s1+s2], $0x80, $0x38;
	[tilespmem:$0xC080] =	vst v63  }
0x1e: {  	_ =	swait.ge [sflag:s6], $0x80  }
0x1f: {  	[sflag:s6] =	ssyncset.done $0x0  }
0x20: {  	[sflag:s6] =	ssyncadd.s32 $0xFFFFFF80  }
0x21: {  	v3 =	vld [tilespmem:$0x0];
	_ =	sdelay $0x4  }
0x22: {  	v4 =	vshrl.u32 v3, $0x3  }
0x23: {  	v4 =	vmul.u32 $0x18, v4  }
0x24: {  	v3 =	vand.u32 $0x7, v3  }
0x25: {  	v3 =	vor.u32 v3, v4  }
0x26: {  	v4 =	vperm.xlane v3, v0;
	_ =	sdelay $0x1  }
0x27: {  	v4 =	vadd.s32 v1, v4;
	_ =	sdelay $0x1  }
0x28: {  	v3 =	vperm.xlane v3, v2;
	_ =	sdelay $0x1  }
0x29: {  	v3 =	vadd.s32 v1, v3  }
0x2a: {  	[tilespmem:s7], [sflag:$0x1] =	stream.indirect_vreg.gather [hbm4b:s3+s2], $0x80, v4, vm0, $0xb8;
	[tilespmem:$0xC080] =	vst v63  }
0x2b: {  	s1 =	rddreg [dreg:$0x5]  }
0x2c: {  	[tilespmem:s1], [sflag:$0x1] =	stream.indirect_vreg.gather [hbm4b:s4+s2], $0x80, v4, vm1, $0xb8;
	[tilespmem:$0xC080] =	vst v63  }
0x2d: {  	s8 =	rddreg [dreg:$0x6]  }
0x2e: {  	[tilespmem:s8], [sflag:$0x1] =	stream.indirect_vreg.gather [hbm4b:s3+s2], $0x80, v3, vm0, $0xb8;
	[tilespmem:$0xC080] =	vst v63  }
0x2f: {  	s1 =	rddreg [dreg:$0x7]  }
0x30: {  	[tilespmem:s1], [sflag:$0x1] =	stream.indirect_vreg.gather [hbm4b:s4+s2], $0x80, v3, vm1, $0xb8;
	[tilespmem:$0xC080] =	vst v63  }
0x31: {  	v3 =	vld [tilespmem:$0x10];
	_ =	sdelay $0x4  }
0x32: {  	v57 =	vshrl.u32 v3, $0x3  }
0x33: {  	v4 =	vmul.u32 $0x18, v57  }
0x34: {  	v3 =	vand.u32 $0x7, v3  }
0x35: {  	v3 =	vor.u32 v3, v4  }
0x36: {  	v4 =	vperm.xlane v3, v0;
	_ =	sdelay $0x1  }
0x37: {  	v4 =	vadd.s32 v1, v4;
	_ =	sdelay $0x1  }
0x38: {  	v3 =	vperm.xlane v3, v2;
	_ =	sdelay $0x1  }
0x39: {  	s1 =	rddreg [dreg:$0x8];
	v3 =	vadd.s32 v1, v3  }
0x3a: {  	[tilespmem:s1], [sflag:$0x1] =	stream.indirect_vreg.gather [hbm4b:s3+s2], $0x80, v4, vm0, $0xb8;
	[tilespmem:$0xC080] =	vst v63  }
0x3b: {  	s8 =	rddreg [dreg:$0x9]  }
0x3c: {  	[tilespmem:s8], [sflag:$0x1] =	stream.indirect_vreg.gather [hbm4b:s4+s2], $0x80, v4, vm1, $0xb8;
	[tilespmem:$0xC080] =	vst v63  }
0x3d: {  	s1 =	rddreg [dreg:$0xa]  }
0x3e: {  	[tilespmem:s1], [sflag:$0x1] =	stream.indirect_vreg.gather [hbm4b:s3+s2], $0x80, v3, vm0, $0xb8;
	[tilespmem:$0xC080] =	vst v63  }
0x3f: {  	s8 =	rddreg [dreg:$0xb]  }
0x40: {  	[tilespmem:s8], [sflag:$0x1] =	stream.indirect_vreg.gather [hbm4b:s4+s2], $0x80, v3, vm1, $0xb8;
	[tilespmem:$0xC080] =	vst v63  }
0x41: {  	v3 =	vld [tilespmem:$0x20];
	_ =	sdelay $0x4  }
0x42: {  	v58 =	vshrl.u32 v3, $0x3  }
0x43: {  	v4 =	vmul.u32 $0x18, v58  }
0x44: {  	v3 =	vand.u32 $0x7, v3  }
0x45: {  	v3 =	vor.u32 v3, v4  }
0x46: {  	v4 =	vperm.xlane v3, v0;
	_ =	sdelay $0x1  }
0x47: {  	v4 =	vadd.s32 v1, v4;
	_ =	sdelay $0x1  }
0x48: {  	v3 =	vperm.xlane v3, v2;
	_ =	sdelay $0x1  }
0x49: {  	s8 =	rddreg [dreg:$0xc];
	v3 =	vadd.s32 v1, v3  }
0x4a: {  	[tilespmem:s8], [sflag:$0x1] =	stream.indirect_vreg.gather [hbm4b:s3+s2], $0x80, v4, vm0, $0xb8;
	[tilespmem:$0xC080] =	vst v63  }
0x4b: {  	s8 =	simm.s32 $0x3880  }
0x4c: {  	[tilespmem:s8], [sflag:$0x1] =	stream.indirect_vreg.gather [hbm4b:s4+s2], $0x80, v4, vm1, $0xb8;
	[tilespmem:$0xC080] =	vst v63  }
0x4d: {  	_ = 	snop  }
0x4e: {  	[tilespmem:s9], [sflag:$0x1] =	stream.indirect_vreg.gather [hbm4b:s3+s2], $0x80, v3, vm0, $0xb8;
	[tilespmem:$0xC080] =	vst v63  }
0x4f: {  	_ = 	snop  }
0x50: {  	[tilespmem:s10], [sflag:$0x1] =	stream.indirect_vreg.gather [hbm4b:s4+s2], $0x80, v3, vm1, $0xb8;
	[tilespmem:$0xC080] =	vst v63  }
0x51: {  	v3 =	vld [tilespmem:$0x30];
	_ =	sdelay $0x4  }
0x52: {  	v59 =	vshrl.u32 v3, $0x3  }
0x53: {  	v4 =	vmul.u32 $0x18, v59  }
0x54: {  	v3 =	vand.u32 $0x7, v3  }
0x55: {  	v3 =	vor.u32 v3, v4  }
0x56: {  	v4 =	vperm.xlane v3, v0;
	_ =	sdelay $0x1  }
0x57: {  	v4 =	vadd.s32 v1, v4;
	_ =	sdelay $0x1  }
0x58: {  	v3 =	vperm.xlane v3, v2;
	_ =	sdelay $0x1  }
0x59: {  	v3 =	vadd.s32 v1, v3  }
0x5a: {  	[tilespmem:s11], [sflag:$0x1] =	stream.indirect_vreg.gather [hbm4b:s3+s2], $0x80, v4, vm0, $0xb8;
	[tilespmem:$0xC080] =	vst v63  }
0x5b: {  	_ = 	snop  }
0x5c: {  	[tilespmem:s12], [sflag:$0x1] =	stream.indirect_vreg.gather [hbm4b:s4+s2], $0x80, v4, vm1, $0xb8;
	[tilespmem:$0xC080] =	vst v63  }
0x5d: {  	_ = 	snop  }
0x5e: {  	[tilespmem:s13], [sflag:$0x1] =	stream.indirect_vreg.gather [hbm4b:s3+s2], $0x80, v3, vm0, $0xb8;
	[tilespmem:$0xC080] =	vst v63  }
0x5f: {  	_ = 	snop  }
0x60: {  	[tilespmem:s14], [sflag:$0x1] =	stream.indirect_vreg.gather [hbm4b:s4+s2], $0x80, v3, vm1, $0xb8;
	[tilespmem:$0xC080] =	vst v63  }
0x61: {  	v3 =	vld [tilespmem:$0x40];
	_ =	sdelay $0x4  }
0x62: {  	v60 =	vshrl.u32 v3, $0x3  }
0x63: {  	v4 =	vmul.u32 $0x18, v60  }
0x64: {  	v3 =	vand.u32 $0x7, v3  }
0x65: {  	v3 =	vor.u32 v3, v4  }
0x66: {  	v4 =	vperm.xlane v3, v0;
	_ =	sdelay $0x1  }
0x67: {  	v4 =	vadd.s32 v1, v4;
	_ =	sdelay $0x1  }
0x68: {  	v3 =	vperm.xlane v3, v2;
	_ =	sdelay $0x1  }
0x69: {  	v3 =	vadd.s32 v1, v3  }
0x6a: {  	[tilespmem:s15], [sflag:$0x1] =	stream.indirect_vreg.gather [hbm4b:s3+s2], $0x80, v4, vm0, $0xb8;
	[tilespmem:$0xC080] =	vst v63  }
0x6b: {  	_ = 	snop  }
0x6c: {  	[tilespmem:s16], [sflag:$0x1] =	stream.indirect_vreg.gather [hbm4b:s4+s2], $0x80, v4, vm1, $0xb8;
	[tilespmem:$0xC080] =	vst v63  }
0x6d: {  	_ = 	snop  }
0x6e: {  	[tilespmem:s17], [sflag:$0x1] =	stream.indirect_vreg.gather [hbm4b:s3+s2], $0x80, v3, vm0, $0xb8;
	[tilespmem:$0xC080] =	vst v63  }
0x6f: {  	_ = 	snop  }
0x70: {  	[tilespmem:s18], [sflag:$0x1] =	stream.indirect_vreg.gather [hbm4b:s4+s2], $0x80, v3, vm1, $0xb8;
	[tilespmem:$0xC080] =	vst v63  }
0x71: {  	v3 =	vld [tilespmem:$0x50];
	_ =	sdelay $0x4  }
0x72: {  	v61 =	vshrl.u32 v3, $0x3  }
0x73: {  	v4 =	vmul.u32 $0x18, v61  }
0x74: {  	v3 =	vand.u32 $0x7, v3  }
0x75: {  	v3 =	vor.u32 v3, v4  }
0x76: {  	v4 =	vperm.xlane v3, v0;
	_ =	sdelay $0x1  }
0x77: {  	v4 =	vadd.s32 v1, v4;
	_ =	sdelay $0x1  }
0x78: {  	v3 =	vperm.xlane v3, v2;
	_ =	sdelay $0x1  }
0x79: {  	v3 =	vadd.s32 v1, v3  }
0x7a: {  	[tilespmem:s19], [sflag:$0x1] =	stream.indirect_vreg.gather [hbm4b:s3+s2], $0x80, v4, vm0, $0xb8;
	[tilespmem:$0xC080] =	vst v63  }
0x7b: {  	_ = 	snop  }
0x7c: {  	[tilespmem:s20], [sflag:$0x1] =	stream.indirect_vreg.gather [hbm4b:s4+s2], $0x80, v4, vm1, $0xb8;
	[tilespmem:$0xC080] =	vst v63  }
0x7d: {  	_ = 	snop  }
0x7e: {  	[tilespmem:s21], [sflag:$0x1] =	stream.indirect_vreg.gather [hbm4b:s3+s2], $0x80, v3, vm0, $0xb8;
	[tilespmem:$0xC080] =	vst v63  }
0x7f: {  	_ = 	snop  }
0x80: {  	[tilespmem:s22], [sflag:$0x1] =	stream.indirect_vreg.gather [hbm4b:s4+s2], $0x80, v3, vm1, $0xb8;
	[tilespmem:$0xC080] =	vst v63  }
0x81: {  	v3 =	vld [tilespmem:$0x60];
	_ =	sdelay $0x4  }
0x82: {  	v62 =	vshrl.u32 v3, $0x3  }
0x83: {  	v4 =	vmul.u32 $0x18, v62  }
0x84: {  	v3 =	vand.u32 $0x7, v3  }
0x85: {  	v3 =	vor.u32 v3, v4  }
0x86: {  	v4 =	vperm.xlane v3, v0;
	_ =	sdelay $0x1  }
0x87: {  	v4 =	vadd.s32 v1, v4;
	_ =	sdelay $0x1  }
0x88: {  	v3 =	vperm.xlane v3, v2;
	_ =	sdelay $0x1  }
0x89: {  	v3 =	vadd.s32 v1, v3  }
0x8a: {  	[tilespmem:s23], [sflag:$0x1] =	stream.indirect_vreg.gather [hbm4b:s3+s2], $0x80, v4, vm0, $0xb8;
	[tilespmem:$0xC080] =	vst v63  }
0x8b: {  	_ = 	snop  }
0x8c: {  	[tilespmem:s24], [sflag:$0x1] =	stream.indirect_vreg.gather [hbm4b:s4+s2], $0x80, v4, vm1, $0xb8;
	[tilespmem:$0xC080] =	vst v63  }
0x8d: {  	_ = 	snop  }
0x8e: {  	[tilespmem:s25], [sflag:$0x1] =	stream.indirect_vreg.gather [hbm4b:s3+s2], $0x80, v3, vm0, $0xb8;
	[tilespmem:$0xC080] =	vst v63  }
0x8f: {  	_ = 	snop  }
0x90: {  	[tilespmem:s26], [sflag:$0x1] =	stream.indirect_vreg.gather [hbm4b:s4+s2], $0x80, v3, vm1, $0xb8;
	[tilespmem:$0xC080] =	vst v63  }
0x91: {  	v3 =	vld [tilespmem:$0x70];
	_ =	sdelay $0x4  }
0x92: {  	v63 =	vshrl.u32 v3, $0x3  }
0x93: {  	v4 =	vmul.u32 $0x18, v63  }
0x94: {  	v3 =	vand.u32 $0x7, v3  }
0x95: {  	v3 =	vor.u32 v3, v4  }
0x96: {  	v4 =	vperm.xlane v3, v0;
	_ =	sdelay $0x1  }
0x97: {  	v4 =	vadd.s32 v1, v4;
	_ =	sdelay $0x1  }
0x98: {  	v3 =	vperm.xlane v3, v2;
	_ =	sdelay $0x1  }
0x99: {  	v3 =	vadd.s32 v1, v3  }
0x9a: {  	[tilespmem:s28], [sflag:$0x1] =	stream.indirect_vreg.gather [hbm4b:s3+s2], $0x80, v4, vm0, $0xb8;
	[tilespmem:$0xC080] =	vst v63  }
0x9b: {  	_ = 	snop  }
0x9c: {  	[tilespmem:s29], [sflag:$0x1] =	stream.indirect_vreg.gather [hbm4b:s4+s2], $0x80, v4, vm1, $0xb8;
	[tilespmem:$0xC080] =	vst v63  }
0x9d: {  	_ = 	snop  }
0x9e: {  	[tilespmem:s30], [sflag:$0x1] =	stream.indirect_vreg.gather [hbm4b:s3+s2], $0x80, v3, vm0, $0xb8;
	[tilespmem:$0xC080] =	vst v63  }
0x9f: {  	_ = 	snop  }
0xa0: {  	[tilespmem:s31], [sflag:$0x1] =	stream.indirect_vreg.gather [hbm4b:s4+s2], $0x80, v3, vm1, $0xb8;
	[tilespmem:$0xC080] =	vst v63  }
0xa1: {  	_ =	swait.ge [sflag:s0], $0xC000  }
0xa2: {  	p0 =	sne.s32 s5, $0x1;
	[sflag:s0] =	ssyncset.done $0x0  }
.Ltmp1:
0xa3: {  	s8 =	rddreg [dreg:$0x3];
	[sflag:s0] =	ssyncadd.s32 $0xFFFF4000;
	(pc) =	sbr.rel @p0 .LBB2_2-.Ltmp1, $4  }
0xa4: {  	[hbm4b:s8+s2] =	stream.linear.scatter [tilespmem:s7], [sflag:$0x2], $0xC000, $0x38;
	[tilespmem:$0xC080] =	vst v63  }
0xa5: {  	_ =	swait.ge [sflag:s6], $0xC000  }
0xa6: {  	[sflag:s6] =	ssyncset.done $0x0  }
0xa7: {  	s5 =	sadd.s32 $0xFFFFFFFF, s5;
	[sflag:s6] =	ssyncadd.s32 $0xFFFF4000  }
.LBB2_3:
0xa8: {  	_ =	sfence.sel $0x180000  }
0xa9: {  	[bflag:$0x0] =	sbarrier.arrive $0xFFFF  }
0xaa: {  	_ =	strace $0x90000047  }
0xab: {  	s0 =	stileid.u32;
	[bflag:$0x2] =	sbarrier.arrive $0xFFFF  }
0xac: {  	p0 =	sne.s32 s0, $0x0;
	s0 =	rddreg [dreg:$0x2]  }
0xad: {  	s0 =	sadd.s32 @!p0 $0x100000, s0  }
0xae: {  	[sflag:s0] =	ssyncadd.tile.s32 @!p0 $0x1;
	_ =	shalt  }
.Lfunc_end2:
_tile_overlayer_lowered:
.L_overlay_start_2:
0xaf: {  	(tag) =	ssettag $0x2  }
0xb0: {  	s0 =	rddreg [dreg:$0x0];
	s2 =	stileid.u32  }
0xb1: {  	s1 =	rddreg [dreg:$0x1];
	p0 =	sne.s32 s2, $0x0  }
0xb2: {  	s3 =	rddreg [dreg:$0x2];
	[bflag:$0x3] =	sbarrier.arrive $0xFFFF;
	s2 =	simm.s32 @!p0 $0x1C02  }
0xb3: {  	[timem:s3], [sflag:s2] =	dma.local @!p0 [hbm:s0], s1  }
0xb4: {  	s0 =	simm.s32 @!p0 $0x2  }
0xb5: {  	_ =	swait.ge @!p0 [sflag:s0], s1  }
0xb6: {  	s1 =	ssub.s32 @!p0 $0x0, s1;
	[sflag:s0] =	ssyncset.done @!p0 $0x0  }
0xb7: {  	[sflag:s0] =	ssyncadd.s32 @!p0 s1  }
0xb8: {  	[bflag:$0x3] =	sbarrier.arrive $0xFFFF  }
0xb9: {  	_ =	shalt  }

</sc_bundles>
